<compile_context>
chip_gen: v7x
topology: tpu7x:2x2x1
jax: 0.10.2.dev20260603
libtpu: 0.0.44.dev20260713+nightly
codegen_flags: <defaults>
</compile_context>

<pallas_src>
import jax
import jax.numpy as jnp
from jax import lax
from jax.experimental import pallas as pl

_NUM_NODE = 64
_NSAMPLE = 64
_RADIUS2 = 0.3 ** 2
_K_UP = 3


def _shift_lanes(x, s):
  r, n = x.shape
  return jnp.concatenate([jnp.zeros((r, s), x.dtype), x[:, : n - s]], axis=1)


def _shift_sublanes(x, s):
  r, n = x.shape
  return jnp.concatenate([jnp.zeros((s, n), x.dtype), x[: r - s, :]], axis=0)


def _cumsum_lanes_incl(x):
  _, n = x.shape
  s = 1
  while s < n:
    x = x + _shift_lanes(x, s)
    s *= 2
  return x


def _cumsum_sublanes_incl(x):
  r, _ = x.shape
  s = 1
  while s < r:
    x = x + _shift_sublanes(x, s)
    s *= 2
  return x


def _col(row):
  ones = jnp.ones((1, 1), row.dtype)
  return lax.dot_general(row, ones, (((0,), (0,)), ((), ())),
                         precision=lax.Precision.HIGHEST,
                         preferred_element_type=jnp.float32)


def _row(col):
  ones = jnp.ones((1, 1), col.dtype)
  return lax.dot_general(ones, col, (((1,), (1,)), ((), ())),
                         precision=lax.Precision.HIGHEST,
                         preferred_element_type=jnp.float32)


def _geom_body(loc_ref, fea_ref, wpo_ref, off_ref, mask_ref, wup_ref):
  n = loc_ref.shape[2]
  s_nodes = _NUM_NODE
  loc = loc_ref[0]
  fea = fea_ref[0]
  wpo = wpo_ref[...]

  g = lax.dot_general(wpo, fea, (((1,), (0,)), ((), ())),
                      precision=lax.Precision.HIGHEST,
                      preferred_element_type=jnp.float32)

  iota_n = lax.broadcasted_iota(jnp.int32, (1, n), 1)
  iota_s = lax.broadcasted_iota(jnp.int32, (1, s_nodes), 1)

  def fps_body(i, carry):
    dist, far, fpl, gf = carry
    oh = iota_n == far
    cen = jnp.sum(jnp.where(oh, loc, 0.0), axis=1, keepdims=True)
    gcol = jnp.sum(jnp.where(oh, g, 0.0), axis=1, keepdims=True)
    soh = iota_s == i
    fpl = fpl + jnp.where(soh, cen, 0.0)
    gf = gf + jnp.where(soh, gcol, 0.0)
    d = loc - cen
    dsq = (d[0:1] * d[0:1] + d[1:2] * d[1:2]) + d[2:3] * d[2:3]
    dist = jnp.minimum(dist, dsq)
    m = jnp.max(dist, axis=1, keepdims=True)
    far2 = jnp.min(jnp.where(dist == m, iota_n, n))
    return dist, far2, fpl, gf

  dist0 = jnp.full((1, n), 1e10, dtype=jnp.float32)
  fpl0 = jnp.zeros((3, s_nodes), jnp.float32)
  init = (dist0, jnp.int32(0), fpl0, fpl0)
  _, _, fpl, gf = lax.fori_loop(0, s_nodes, fps_body, init)

  fp_c = [_col(fpl[o:o + 1]) for o in range(3)]
  gf_c = [_col(gf[o:o + 1]) for o in range(3)]

  def _bf(x):
    return x.astype(jnp.bfloat16).astype(jnp.float32)

  bl = [_bf(loc[o:o + 1]) for o in range(3)]
  xnorm = (loc[0:1] * loc[0:1] + loc[1:2] * loc[1:2]) + loc[2:3] * loc[2:3]
  fpnorm = (fp_c[0] * fp_c[0] + fp_c[1] * fp_c[1]) + fp_c[2] * fp_c[2]
  cross = (_bf(fp_c[0]) * bl[0] + _bf(fp_c[1]) * bl[1]) + _bf(fp_c[2]) * bl[2]
  sq = fpnorm + xnorm - 2.0 * cross

  inr = sq <= _RADIUS2
  inr_f = inr.astype(jnp.float32)
  rank_ex = _cumsum_lanes_incl(inr_f) - inr_f
  cnt = jnp.sum(inr_f, axis=1, keepdims=True)
  sel = jnp.where(inr & (rank_ex < float(_NSAMPLE)), 1.0, 0.0)
  first = jnp.where(inr & (rank_ex == 0.0), 1.0, 0.0)
  pad = jnp.maximum(float(_NSAMPLE) - cnt, 0.0)

  off_rows = []
  nl_c = []
  for o in range(3):
    gd = jnp.tanh(g[o:o + 1] - gf_c[o])
    ld = loc[o:o + 1] - fp_c[o]
    f = gd * ld
    s_sel = jnp.sum(f * sel, axis=1, keepdims=True)
    f_n0 = jnp.sum(f * first, axis=1, keepdims=True)
    off = (s_sel + pad * f_n0) * (1.0 / _NSAMPLE)
    off_rows.append(_row(off))
    nl_c.append(fp_c[o] + off)
  off_ref[0] = jnp.concatenate(off_rows, axis=0)

  nlnorm = (nl_c[0] * nl_c[0] + nl_c[1] * nl_c[1]) + nl_c[2] * nl_c[2]
  cross2 = (_bf(nl_c[0]) * bl[0] + _bf(nl_c[1]) * bl[1]) + _bf(nl_c[2]) * bl[2]
  sq2 = nlnorm + xnorm - 2.0 * cross2

  keys = lax.bitcast_convert_type(jnp.maximum(sq2, 0.0), jnp.int32)
  cur = jnp.zeros((s_nodes, 1), jnp.int32)
  for bit in range(30, -1, -1):
    trial = cur | jnp.int32(1 << bit)
    cnt_lt = jnp.sum(jnp.where(keys < trial, 1.0, 0.0), axis=1, keepdims=True)
    cur = jnp.where(cnt_lt < float(_NSAMPLE), trial, cur)
  thr = cur
  lt = jnp.where(keys < thr, 1.0, 0.0)
  c1 = jnp.sum(lt, axis=1, keepdims=True)
  tie = jnp.where(keys == thr, 1.0, 0.0)
  tierank = _cumsum_lanes_incl(tie) - tie
  need = float(_NSAMPLE) - c1
  mask_ref[0] = lt + tie * jnp.where(tierank < need, 1.0, 0.0)

  work = sq2
  wmat = jnp.zeros((s_nodes, n), jnp.float32)
  wsum = jnp.zeros((1, n), jnp.float32)
  for _ in range(_K_UP):
    m = jnp.min(work, axis=0, keepdims=True)
    eq = jnp.where(work == m, 1.0, 0.0)
    req = _cumsum_sublanes_incl(eq) - eq
    pick = (eq > 0.0) & (req == 0.0)
    wj = 1.0 / jnp.maximum(m, 1e-10)
    wmat = wmat + jnp.where(pick, wj, 0.0)
    wsum = wsum + wj
    work = jnp.where(pick, jnp.float32(jnp.inf), work)
  wup_ref[0] = wmat / wsum


def _res_body(fea_ref, w_ref, b_ref, y_ref, st_ref):
  b = pl.program_id(0)

  @pl.when(b == 0)
  def _():
    st_ref[...] = jnp.zeros_like(st_ref)

  fea = fea_ref[0]
  y = lax.dot_general(w_ref[...], fea, (((1,), (0,)), ((), ())),
                      precision=lax.Precision.DEFAULT,
                      preferred_element_type=jnp.float32)
  y = y + b_ref[...]
  y_ref[0] = y
  st_ref[:, 0:1] = st_ref[:, 0:1] + jnp.sum(y, axis=1, keepdims=True)
  st_ref[:, 1:2] = st_ref[:, 1:2] + jnp.sum(y * y, axis=1, keepdims=True)


def _fuse_body(y_ref, fea_ref, mask_ref, wup_ref, a_ref, c_ref,
               out_ref, nf_ref):
  c_ch = y_ref.shape[1]
  s_nodes = _NUM_NODE
  rf = jnp.maximum(y_ref[0] * a_ref[...] + c_ref[...], 0.0)
  iota_s = lax.broadcasted_iota(jnp.int32, (1, s_nodes), 1)
  mask_v = mask_ref[0]

  def sbody(s, nf):
    soh = (iota_s == s).astype(jnp.float32)
    row = lax.dot_general(soh, mask_v, (((1,), (0,)), ((), ())),
                          precision=lax.Precision.HIGHEST,
                          preferred_element_type=jnp.float32)
    v = jnp.max(rf * row, axis=1, keepdims=True)
    return nf + jnp.where(iota_s == s, v, 0.0)

  nf = lax.fori_loop(0, s_nodes, sbody, jnp.zeros((c_ch, s_nodes),
                                                  jnp.float32))
  nf_ref[0] = nf
  interp = lax.dot_general(nf, wup_ref[0], (((1,), (0,)), ((), ())),
                           precision=lax.Precision.HIGHEST,
                           preferred_element_type=jnp.float32)
  out_ref[0, :c_ch, :] = fea_ref[0]
  out_ref[0, c_ch:, :] = interp


def kernel(input_fea, input_loc, pred_offset_w, residual_w, residual_b,
           residual_gamma, residual_beta):
  b_n, c_ch, n, _ = input_fea.shape
  s_nodes = _NUM_NODE
  fea = input_fea[..., 0]

  off, mask, wup = pl.pallas_call(
      _geom_body,
      grid=(b_n,),
      in_specs=[
          pl.BlockSpec((1, 3, n), lambda b: (b, 0, 0)),
          pl.BlockSpec((1, c_ch, n), lambda b: (b, 0, 0)),
          pl.BlockSpec((3, c_ch), lambda b: (0, 0)),
      ],
      out_specs=[
          pl.BlockSpec((1, 3, s_nodes), lambda b: (b, 0, 0)),
          pl.BlockSpec((1, s_nodes, n), lambda b: (b, 0, 0)),
          pl.BlockSpec((1, s_nodes, n), lambda b: (b, 0, 0)),
      ],
      out_shape=[
          jax.ShapeDtypeStruct((b_n, 3, s_nodes), jnp.float32),
          jax.ShapeDtypeStruct((b_n, s_nodes, n), jnp.float32),
          jax.ShapeDtypeStruct((b_n, s_nodes, n), jnp.float32),
      ],
  )(input_loc, fea, pred_offset_w)

  y, stats = pl.pallas_call(
      _res_body,
      grid=(b_n,),
      in_specs=[
          pl.BlockSpec((1, c_ch, n), lambda b: (b, 0, 0)),
          pl.BlockSpec((c_ch, c_ch), lambda b: (0, 0)),
          pl.BlockSpec((c_ch, 1), lambda b: (0, 0)),
      ],
      out_specs=[
          pl.BlockSpec((1, c_ch, n), lambda b: (b, 0, 0)),
          pl.BlockSpec((c_ch, 128), lambda b: (0, 0)),
      ],
      out_shape=[
          jax.ShapeDtypeStruct((b_n, c_ch, n), jnp.float32),
          jax.ShapeDtypeStruct((c_ch, 128), jnp.float32),
      ],
  )(fea, residual_w, residual_b.reshape(c_ch, 1))

  count = float(b_n * n)
  mean = stats[:, 0] / count
  var = stats[:, 1] / count - mean * mean
  a = residual_gamma / jnp.sqrt(var + 1e-5)
  c = residual_beta - mean * a

  out_fea, node_fea = pl.pallas_call(
      _fuse_body,
      grid=(b_n,),
      in_specs=[
          pl.BlockSpec((1, c_ch, n), lambda b: (b, 0, 0)),
          pl.BlockSpec((1, c_ch, n), lambda b: (b, 0, 0)),
          pl.BlockSpec((1, s_nodes, n), lambda b: (b, 0, 0)),
          pl.BlockSpec((1, s_nodes, n), lambda b: (b, 0, 0)),
          pl.BlockSpec((c_ch, 1), lambda b: (0, 0)),
          pl.BlockSpec((c_ch, 1), lambda b: (0, 0)),
      ],
      out_specs=[
          pl.BlockSpec((1, 2 * c_ch, n), lambda b: (b, 0, 0)),
          pl.BlockSpec((1, c_ch, s_nodes), lambda b: (b, 0, 0)),
      ],
      out_shape=[
          jax.ShapeDtypeStruct((b_n, 2 * c_ch, n), jnp.float32),
          jax.ShapeDtypeStruct((b_n, c_ch, s_nodes), jnp.float32),
      ],
  )(y, fea, mask, wup, a.reshape(c_ch, 1), c.reshape(c_ch, 1))

  return (out_fea[..., None], node_fea[..., None], off)

# --- scband reference (transcript-rebuilt; emitter-appended) ---
"""Pipeline reference for scband-adapt-layer-off-31293131719266 (READ-ONLY COPY).

The authoritative reference and input builder live on the scoring server;
editing this copy changes nothing except your own understanding.
"""

import jax, jax.numpy as jnp
import numpy as np

NUM_NODE = 64

def square_distance(src, dst):
    s = jnp.transpose(src, (0, 2, 1))
    d = jnp.transpose(dst, (0, 2, 1))
    return jnp.sum(s * s, -1)[:, :, None] + jnp.sum(d * d, -1)[:, None, :] - 2.0 * jnp.einsum('bnc,bmc->bnm', s, d)

def farthest_point_sample(xyz, npoint):
    B, C, N = xyz.shape
    x = jnp.transpose(xyz, (0, 2, 1))
    distance = jnp.full((B, N), 1e10, dtype=xyz.dtype)
    farthest = jnp.zeros((B,), dtype=jnp.int32)
    bidx = jnp.arange(B)
    idxs = []
    for _ in range(npoint):
        idxs.append(farthest)
        centroid = x[bidx, farthest, :][:, None, :]
        dist = jnp.sum((x - centroid) ** 2, -1)
        distance = jnp.minimum(distance, dist)
        farthest = jnp.argmax(distance, -1).astype(jnp.int32)
    return jnp.stack(idxs, axis=1)

def index_points(points, idx):
    if points.ndim == 4:
        points = points[..., 0]
    return jax.vmap(lambda p, i: p[:, i])(points, idx)

def query_ball_point(radius, nsample, xyz, new_xyz):
    B, _, N = xyz.shape
    S = new_xyz.shape[2]
    sqrdists = square_distance(new_xyz, xyz)
    if radius is not None:
        group_idx = jnp.broadcast_to(jnp.arange(N), (B, S, N))
        group_idx = jnp.where(sqrdists > radius ** 2, N, group_idx)
        group_idx = jnp.sort(group_idx, axis=-1)[:, :, :nsample]
        group_first = jnp.broadcast_to(group_idx[:, :, :1], group_idx.shape)
        group_idx = jnp.where(group_idx == N, group_first, group_idx)
    else:
        group_idx = jnp.argsort(sqrdists, axis=-1)[:, :, :nsample]
    return group_idx

def upsample_inter(xyz1, xyz2, points1, points2, k):
    dists = square_distance(xyz1, xyz2)
    idx = jnp.argsort(dists, axis=-1)[:, :, :k]
    d = jnp.take_along_axis(dists, idx, axis=-1)
    d = jnp.maximum(d, 1e-10)
    weight = 1.0 / d
    weight = weight / jnp.sum(weight, axis=-1, keepdims=True)
    gathered = index_points(points2, idx)
    interpolated = jnp.sum(gathered * weight[:, None, :, :], axis=-1)
    p1 = points1[..., 0] if points1.ndim == 4 else points1
    return jnp.concatenate([p1, interpolated], axis=1)

def setup_inputs(seed: int = 0):
    key = jax.random.key(seed)
    ks = jax.random.split(key, 8)
    B, C, N = 16, 256, 2048
    input_fea = jax.random.normal(ks[0], (B, C, N, 1), dtype=jnp.float32)
    input_loc = jax.random.uniform(ks[1], (B, 3, N), dtype=jnp.float32)
    pred_offset_w = jax.random.normal(ks[2], (3, C), dtype=jnp.float32) * 0.05
    residual_w = jax.random.normal(ks[3], (C, C), dtype=jnp.float32) * 0.05
    residual_b = jax.random.normal(ks[4], (C,), dtype=jnp.float32) * 0.05
    residual_gamma = jnp.ones((C,), dtype=jnp.float32)
    residual_beta = jnp.zeros((C,), dtype=jnp.float32)
    return {'input_fea': input_fea, 'input_loc': input_loc, 'pred_offset_w': pred_offset_w, 'residual_w': residual_w, 'residual_b': residual_b, 'residual_gamma': residual_gamma, 'residual_beta': residual_beta}

def reference(input_fea, input_loc, pred_offset_w, residual_w, residual_b, residual_gamma, residual_beta):
    fpoint_idx = farthest_point_sample(input_loc, NUM_NODE)
    fpoint_loc = index_points(input_loc, fpoint_idx)
    fpoint_fea = index_points(input_fea, fpoint_idx)
    group_idx = query_ball_point(0.3, 64, input_loc, fpoint_loc)
    group_fea = index_points(input_fea, group_idx)
    group_fea = group_fea - fpoint_fea[:, :, :, None]
    seman_trans = jnp.tanh(jnp.einsum('oc,bcsk->bosk', pred_offset_w, group_fea))
    group_loc = index_points(input_loc, group_idx)
    group_loc = group_loc - fpoint_loc[:, :, :, None]
    node_offset = jnp.mean(seman_trans * group_loc, axis=-1)
    node_loc = fpoint_loc + node_offset
    group_idx2 = query_ball_point(None, 64, input_loc, node_loc)
    y = jnp.einsum('oc,bcnw->bonw', residual_w, input_fea) + residual_b[None, :, None, None]
    mean = jnp.mean(y, axis=(0, 2, 3), keepdims=True)
    var = jnp.var(y, axis=(0, 2, 3), keepdims=True)
    y = (y - mean) / jnp.sqrt(var + 1e-5)
    y = y * residual_gamma[None, :, None, None] + residual_beta[None, :, None, None]
    residual_fea = jax.nn.relu(y)
    group_fea2 = index_points(residual_fea, group_idx2)
    node_fea = jnp.max(group_fea2, axis=-1, keepdims=True)
    output_fea = upsample_inter(input_loc, node_loc, input_fea, node_fea, 3)[..., None]
    return (output_fea, node_fea, node_offset)

if __name__ == "__main__":
    import jax
    _d = setup_inputs()
    print(jax.jit(kernel)(*tuple(_d.values())))

</pallas_src>

<mosaic_0001>
module attributes {stable_mosaic.version = 14 : i64} {
  func.func @_res_body(%arg0: i32, %arg1: memref<1x256x2048xf32, #tpu.memory_space<vmem>>, %arg2: memref<256x256xf32, #tpu.memory_space<vmem>>, %arg3: memref<256x1xf32, #tpu.memory_space<vmem>>, %arg4: memref<1x256x2048xf32, #tpu.memory_space<vmem>>, %arg5: memref<256x128xf32, #tpu.memory_space<vmem>>) attributes {dimension_semantics = [#tpu.dimension_semantics<arbitrary>], iteration_bounds = array<i64: 16>, scalar_prefetch = 0 : i64, scratch_operands = 0 : i64, tpu.core_type = #tpu.core_type<tc>, window_params = [{transform_indices = @transform_0, window_bounds = array<i64: 1, 256, 2048>}, {pipeline_mode = #tpu.pipeline_mode<synchronous>, transform_indices = @transform_1, window_bounds = array<i64: 256, 256>}, {pipeline_mode = #tpu.pipeline_mode<synchronous>, transform_indices = @transform_2, window_bounds = array<i64: 256, 1>}, {transform_indices = @transform_3, window_bounds = array<i64: 1, 256, 2048>}, {pipeline_mode = #tpu.pipeline_mode<synchronous>, transform_indices = @transform_4, window_bounds = array<i64: 256, 128>}]} {
    %eq3A = arith.constant 0 : i32
    %eq3A_0 = arith.cmpi eq, %arg0, %eq3A : i32
    %convert_element_type3A = arith.extui %eq3A_0 : i1 to i32
    %cond3A = arith.constant 0 : i32
    %cond3A_1 = arith.cmpi ne, %convert_element_type3A, %cond3A : i32
    scf.if %cond3A_1 {
      %broadcast_in_dim3A_37 = arith.constant 0.000000e+00 : f32
      %broadcast_in_dim3A_38 = vector.broadcast %broadcast_in_dim3A_37 : f32 to vector<256x128xf32>
      %swap3A_39 = arith.constant 0 : index
      %swap3A_40 = arith.constant 0 : index
      %swap3A_41 = vector.load %arg5[%swap3A_39, %swap3A_40] : memref<256x128xf32, #tpu.memory_space<vmem>>, vector<256x128xf32>
      tpu.vector_store %arg5[%swap3A_39, %swap3A_40], %broadcast_in_dim3A_38 {strides = array<i32>} : memref<256x128xf32, #tpu.memory_space<vmem>>, vector<256x128xf32>,
    } else {
    }
    %get3A = arith.constant 0 : index
    %get3A_2 = arith.constant 0 : index
    %get3A_3 = arith.constant 0 : index
    %get3A_4 = vector.load %arg1[%get3A, %get3A_2, %get3A_3] : memref<1x256x2048xf32, #tpu.memory_space<vmem>>, vector<1x256x2048xf32>
    %get3A_5 = vector.shape_cast %get3A_4 : vector<1x256x2048xf32> to vector<256x2048xf32>
    %get3A_6 = arith.constant 0 : index
    %get3A_7 = arith.constant 0 : index
    %get3A_8 = vector.load %arg2[%get3A_6, %get3A_7] : memref<256x256xf32, #tpu.memory_space<vmem>>, vector<256x256xf32>
    %dot_general3A = arith.constant dense<0.000000e+00> : vector<256x2048xf32>
    %dot_general3A_9 = tpu.matmul %get3A_8, %get3A_5, %dot_general3A {dimension_numbers = #tpu.dot_dimension_numbers<[1], [0], [0], [1], [0, 0, 1, 1], [], []>, transpose_lhs_hint = false} : vector<256x256xf32>, vector<256x2048xf32>, vector<256x2048xf32> -> vector<256x2048xf32>
    %get3A_10 = arith.constant 0 : index
    %get3A_11 = arith.constant 0 : index
    %get3A_12 = vector.load %arg3[%get3A_10, %get3A_11] : memref<256x1xf32, #tpu.memory_space<vmem>>, vector<256x1xf32>
    %add3A = vector.broadcast %get3A_12 : vector<256x1xf32> to vector<256x2048xf32>
    %add3A_13 = arith.addf %dot_general3A_9, %add3A : vector<256x2048xf32>
    %swap3A = arith.constant 0 : index
    %swap3A_14 = arith.constant 0 : index
    %swap3A_15 = arith.constant 0 : index
    %swap3A_16 = vector.load %arg4[%swap3A, %swap3A_14, %swap3A_15] : memref<1x256x2048xf32, #tpu.memory_space<vmem>>, vector<1x256x2048xf32>
    %swap3A_17 = vector.shape_cast %swap3A_16 : vector<1x256x2048xf32> to vector<256x2048xf32>
    %swap3A_18 = vector.shape_cast %add3A_13 : vector<256x2048xf32> to vector<1x256x2048xf32>
    tpu.vector_store %arg4[%swap3A, %swap3A_14, %swap3A_15], %swap3A_18 {strides = array<i32>} : memref<1x256x2048xf32, #tpu.memory_space<vmem>>, vector<1x256x2048xf32>,
    %get3A_19 = arith.constant 0 : index
    %get3A_20 = arith.constant 0 : index
    %get3A_21 = vector.load %arg5[%get3A_19, %get3A_20] : memref<256x128xf32, #tpu.memory_space<vmem>>, vector<256x1xf32>
    %reduce_sum3A = arith.constant dense<0.000000e+00> : vector<256xf32>
    %reduce_sum3A_22 = vector.multi_reduction <add>, %add3A_13, %reduce_sum3A [1] : vector<256x2048xf32> to vector<256xf32>
    %broadcast_in_dim3A = vector.shape_cast %reduce_sum3A_22 : vector<256xf32> to vector<256x1xf32>
    %add3A_23 = arith.addf %get3A_21, %broadcast_in_dim3A : vector<256x1xf32>
    %swap3A_24 = arith.constant 0 : index
    %swap3A_25 = arith.constant 0 : index
    %swap3A_26 = vector.load %arg5[%swap3A_24, %swap3A_25] : memref<256x128xf32, #tpu.memory_space<vmem>>, vector<256x1xf32>
    tpu.vector_store %arg5[%swap3A_24, %swap3A_25], %add3A_23 {strides = array<i32>} : memref<256x128xf32, #tpu.memory_space<vmem>>, vector<256x1xf32>,
    %get3A_27 = arith.constant 0 : index
    %get3A_28 = arith.constant 1 : index
    %get3A_29 = vector.load %arg5[%get3A_27, %get3A_28] : memref<256x128xf32, #tpu.memory_space<vmem>>, vector<256x1xf32>
    %mul3A = arith.mulf %add3A_13, %add3A_13 : vector<256x2048xf32>
    %reduce_sum3A_30 = arith.constant dense<0.000000e+00> : vector<256xf32>
    %reduce_sum3A_31 = vector.multi_reduction <add>, %mul3A, %reduce_sum3A_30 [1] : vector<256x2048xf32> to vector<256xf32>
    %broadcast_in_dim3A_32 = vector.shape_cast %reduce_sum3A_31 : vector<256xf32> to vector<256x1xf32>
    %add3A_33 = arith.addf %get3A_29, %broadcast_in_dim3A_32 : vector<256x1xf32>
    %swap3A_34 = arith.constant 0 : index
    %swap3A_35 = arith.constant 1 : index
    %swap3A_36 = vector.load %arg5[%swap3A_34, %swap3A_35] : memref<256x128xf32, #tpu.memory_space<vmem>>, vector<256x1xf32>
    tpu.vector_store %arg5[%swap3A_34, %swap3A_35], %add3A_33 {strides = array<i32>} : memref<256x128xf32, #tpu.memory_space<vmem>>, vector<256x1xf32>,
    return
  }
  func.func @transform_0(%arg0: i32) -> (i32, i32, i32) {
    %c0_i32 = arith.constant 0 : i32
    %c0_i32_0 = arith.constant 0 : i32
    %c0_i32_1 = arith.constant 0 : i32
    return %arg0, %c0_i32, %c0_i32_0 : i32, i32, i32
  }
  func.func @transform_1(%arg0: i32) -> (i32, i32) {
    %c0_i32 = arith.constant 0 : i32
    %c0_i32_0 = arith.constant 0 : i32
    %c0_i32_1 = arith.constant 0 : i32
    return %c0_i32, %c0_i32_0 : i32, i32
  }
  func.func @transform_2(%arg0: i32) -> (i32, i32) {
    %c0_i32 = arith.constant 0 : i32
    %c0_i32_0 = arith.constant 0 : i32
    %c0_i32_1 = arith.constant 0 : i32
    return %c0_i32, %c0_i32_0 : i32, i32
  }
  func.func @transform_3(%arg0: i32) -> (i32, i32, i32) {
    %c0_i32 = arith.constant 0 : i32
    %c0_i32_0 = arith.constant 0 : i32
    %c0_i32_1 = arith.constant 0 : i32
    return %arg0, %c0_i32, %c0_i32_0 : i32, i32, i32
  }
  func.func @transform_4(%arg0: i32) -> (i32, i32) {
    %c0_i32 = arith.constant 0 : i32
    %c0_i32_0 = arith.constant 0 : i32
    %c0_i32_1 = arith.constant 0 : i32
    return %c0_i32, %c0_i32_0 : i32, i32
  }
}

module attributes {stable_mosaic.version = 14 : i64} {
  func.func @_fuse_body(%arg0: i32, %arg1: memref<1x256x2048xf32, #tpu.memory_space<vmem>>, %arg2: memref<1x256x2048xf32, #tpu.memory_space<vmem>>, %arg3: memref<1x64x2048xf32, #tpu.memory_space<vmem>>, %arg4: memref<1x64x2048xf32, #tpu.memory_space<vmem>>, %arg5: memref<256x1xf32, #tpu.memory_space<vmem>>, %arg6: memref<256x1xf32, #tpu.memory_space<vmem>>, %arg7: memref<1x512x2048xf32, #tpu.memory_space<vmem>>, %arg8: memref<1x256x64xf32, #tpu.memory_space<vmem>>) attributes {dimension_semantics = [#tpu.dimension_semantics<arbitrary>], iteration_bounds = array<i64: 16>, scalar_prefetch = 0 : i64, scratch_operands = 0 : i64, tpu.core_type = #tpu.core_type<tc>, window_params = [{transform_indices = @transform_0, window_bounds = array<i64: 1, 256, 2048>}, {transform_indices = @transform_1, window_bounds = array<i64: 1, 256, 2048>}, {transform_indices = @transform_2, window_bounds = array<i64: 1, 64, 2048>}, {transform_indices = @transform_3, window_bounds = array<i64: 1, 64, 2048>}, {pipeline_mode = #tpu.pipeline_mode<synchronous>, transform_indices = @transform_4, window_bounds = array<i64: 256, 1>}, {pipeline_mode = #tpu.pipeline_mode<synchronous>, transform_indices = @transform_5, window_bounds = array<i64: 256, 1>}, {transform_indices = @transform_6, window_bounds = array<i64: 1, 512, 2048>}, {transform_indices = @transform_7, window_bounds = array<i64: 1, 256, 64>}]} {
    %get3A = arith.constant 0 : index
    %get3A_0 = arith.constant 0 : index
    %get3A_1 = arith.constant 0 : index
    %get3A_2 = vector.load %arg1[%get3A, %get3A_0, %get3A_1] : memref<1x256x2048xf32, #tpu.memory_space<vmem>>, vector<1x256x2048xf32>
    %get3A_3 = vector.shape_cast %get3A_2 : vector<1x256x2048xf32> to vector<256x2048xf32>
    %get3A_4 = arith.constant 0 : index
    %get3A_5 = arith.constant 0 : index
    %get3A_6 = vector.load %arg5[%get3A_4, %get3A_5] : memref<256x1xf32, #tpu.memory_space<vmem>>, vector<256x1xf32>
    %mul3A = vector.broadcast %get3A_6 : vector<256x1xf32> to vector<256x2048xf32>
    %mul3A_7 = arith.mulf %get3A_3, %mul3A : vector<256x2048xf32>
    %get3A_8 = arith.constant 0 : index
    %get3A_9 = arith.constant 0 : index
    %get3A_10 = vector.load %arg6[%get3A_8, %get3A_9] : memref<256x1xf32, #tpu.memory_space<vmem>>, vector<256x1xf32>
    %add3A = vector.broadcast %get3A_10 : vector<256x1xf32> to vector<256x2048xf32>
    %add3A_11 = arith.addf %mul3A_7, %add3A : vector<256x2048xf32>
    %max3A = arith.constant 0.000000e+00 : f32
    %max3A_12 = vector.broadcast %max3A : f32 to vector<256x2048xf32>
    %max3A_13 = arith.maximumf %add3A_11, %max3A_12 : vector<256x2048xf32>
    %iota3A = tpu.iota {dimensions = array<i32: 1>} : vector<1x64xi32>
    %get3A_14 = arith.constant 0 : index
    %get3A_15 = arith.constant 0 : index
    %get3A_16 = arith.constant 0 : index
    %get3A_17 = vector.load %arg3[%get3A_14, %get3A_15, %get3A_16] : memref<1x64x2048xf32, #tpu.memory_space<vmem>>, vector<1x64x2048xf32>
    %get3A_18 = vector.shape_cast %get3A_17 : vector<1x64x2048xf32> to vector<64x2048xf32>
    %broadcast_in_dim3A = arith.constant 0.000000e+00 : f32
    %broadcast_in_dim3A_19 = vector.broadcast %broadcast_in_dim3A : f32 to vector<256x64xf32>
    %scan3A = arith.constant 0 : i32
    %scan3A_20 = arith.constant 64 : i32
    %scan3A_21 = arith.addi %scan3A, %scan3A_20 : i32
    %scan3A_22 = arith.constant 1 : i32
    %scan3A_23 = scf.for %scan3A_53 = %scan3A to %scan3A_21 step %scan3A_22 iter_args(%scan3A_54 = %broadcast_in_dim3A_19) -> (vector<256x64xf32>)  : i32 {
      %eq3A = vector.broadcast %scan3A_53 : i32 to vector<1x64xi32>
      %eq3A_55 = arith.cmpi eq, %iota3A, %eq3A : vector<1x64xi32>
      %convert_element_type3A = arith.extui %eq3A_55 : vector<1x64xi1> to vector<1x64xi32>
      %convert_element_type3A_56 = arith.sitofp %convert_element_type3A : vector<1x64xi32> to vector<1x64xf32>
      %dot_general3A_57 = arith.constant dense<0.000000e+00> : vector<1x2048xf32>
      %dot_general3A_58 = tpu.matmul %convert_element_type3A_56, %get3A_18, %dot_general3A_57 {dimension_numbers = #tpu.dot_dimension_numbers<[1], [0], [0], [1], [0, 0, 1, 1], [], []>, precision = #tpu.contract_precision<fp32>, transpose_lhs_hint = false} : vector<1x64xf32>, vector<64x2048xf32>, vector<1x2048xf32> -> vector<1x2048xf32>
      %mul3A_59 = vector.broadcast %dot_general3A_58 : vector<1x2048xf32> to vector<256x2048xf32>
      %mul3A_60 = arith.mulf %max3A_13, %mul3A_59 : vector<256x2048xf32>
      %reduce_max3A = arith.constant dense<0xFF800000> : vector<256xf32>
      %reduce_max3A_61 = vector.multi_reduction <maximumf>, %mul3A_60, %reduce_max3A [1] : vector<256x2048xf32> to vector<256xf32>
      %broadcast_in_dim3A_62 = vector.shape_cast %reduce_max3A_61 : vector<256xf32> to vector<256x1xf32>
      %eq3A_63 = vector.broadcast %scan3A_53 : i32 to vector<1x64xi32>
      %eq3A_64 = arith.cmpi eq, %iota3A, %eq3A_63 : vector<1x64xi32>
      %jit3A = arith.constant 0.000000e+00 : f32
      %broadcast_in_dim3A_65 = vector.shape_cast %eq3A_64 : vector<1x64xi1> to vector<1x64xi1>
      %broadcast_in_dim3A_66 = vector.broadcast %broadcast_in_dim3A_65 : vector<1x64xi1> to vector<256x64xi1>
      %broadcast_in_dim3A_67 = vector.shape_cast %broadcast_in_dim3A_62 : vector<256x1xf32> to vector<256x1xf32>
      %broadcast_in_dim3A_68 = vector.broadcast %broadcast_in_dim3A_67 : vector<256x1xf32> to vector<256x64xf32>
      %broadcast_in_dim3A_69 = vector.broadcast %jit3A : f32 to vector<256x64xf32>
      %select_n3A = arith.select %broadcast_in_dim3A_66, %broadcast_in_dim3A_68, %broadcast_in_dim3A_69 : vector<256x64xi1>, vector<256x64xf32>
      %add3A_70 = arith.addf %scan3A_54, %select_n3A : vector<256x64xf32>
      scf.yield %add3A_70 : vector<256x64xf32>
    }
    %scan3A_24 = arith.constant 64 : i32
    %swap3A = arith.constant 0 : index
    %swap3A_25 = arith.constant 0 : index
    %swap3A_26 = arith.constant 0 : index
    %swap3A_27 = vector.load %arg8[%swap3A, %swap3A_25, %swap3A_26] : memref<1x256x64xf32, #tpu.memory_space<vmem>>, vector<1x256x64xf32>
    %swap3A_28 = vector.shape_cast %swap3A_27 : vector<1x256x64xf32> to vector<256x64xf32>
    %swap3A_29 = vector.shape_cast %scan3A_23 : vector<256x64xf32> to vector<1x256x64xf32>
    tpu.vector_store %arg8[%swap3A, %swap3A_25, %swap3A_26], %swap3A_29 {strides = array<i32>} : memref<1x256x64xf32, #tpu.memory_space<vmem>>, vector<1x256x64xf32>,
    %get3A_30 = arith.constant 0 : index
    %get3A_31 = arith.constant 0 : index
    %get3A_32 = arith.constant 0 : index
    %get3A_33 = vector.load %arg4[%get3A_30, %get3A_31, %get3A_32] : memref<1x64x2048xf32, #tpu.memory_space<vmem>>, vector<1x64x2048xf32>
    %get3A_34 = vector.shape_cast %get3A_33 : vector<1x64x2048xf32> to vector<64x2048xf32>
    %dot_general3A = arith.constant dense<0.000000e+00> : vector<256x2048xf32>
    %dot_general3A_35 = tpu.matmul %scan3A_23, %get3A_34, %dot_general3A {dimension_numbers = #tpu.dot_dimension_numbers<[1], [0], [0], [1], [0, 0, 1, 1], [], []>, precision = #tpu.contract_precision<fp32>, transpose_lhs_hint = false} : vector<256x64xf32>, vector<64x2048xf32>, vector<256x2048xf32> -> vector<256x2048xf32>
    %get3A_36 = arith.constant 0 : index
    %get3A_37 = arith.constant 0 : index
    %get3A_38 = arith.constant 0 : index
    %get3A_39 = vector.load %arg2[%get3A_36, %get3A_37, %get3A_38] : memref<1x256x2048xf32, #tpu.memory_space<vmem>>, vector<1x256x2048xf32>
    %get3A_40 = vector.shape_cast %get3A_39 : vector<1x256x2048xf32> to vector<256x2048xf32>
    %swap3A_41 = arith.constant 0 : index
    %swap3A_42 = arith.constant 0 : index
    %swap3A_43 = arith.constant 0 : index
    %swap3A_44 = vector.load %arg7[%swap3A_41, %swap3A_42, %swap3A_43] : memref<1x512x2048xf32, #tpu.memory_space<vmem>>, vector<1x256x2048xf32>
    %swap3A_45 = vector.shape_cast %swap3A_44 : vector<1x256x2048xf32> to vector<256x2048xf32>
    %swap3A_46 = vector.shape_cast %get3A_40 : vector<256x2048xf32> to vector<1x256x2048xf32>
    tpu.vector_store %arg7[%swap3A_41, %swap3A_42, %swap3A_43], %swap3A_46 {strides = array<i32>} : memref<1x512x2048xf32, #tpu.memory_space<vmem>>, vector<1x256x2048xf32>,
    %swap3A_47 = arith.constant 0 : index
    %swap3A_48 = arith.constant 256 : index
    %swap3A_49 = arith.constant 0 : index
    %swap3A_50 = vector.load %arg7[%swap3A_47, %swap3A_48, %swap3A_49] : memref<1x512x2048xf32, #tpu.memory_space<vmem>>, vector<1x256x2048xf32>
    %swap3A_51 = vector.shape_cast %swap3A_50 : vector<1x256x2048xf32> to vector<256x2048xf32>
    %swap3A_52 = vector.shape_cast %dot_general3A_35 : vector<256x2048xf32> to vector<1x256x2048xf32>
    tpu.vector_store %arg7[%swap3A_47, %swap3A_48, %swap3A_49], %swap3A_52 {strides = array<i32>} : memref<1x512x2048xf32, #tpu.memory_space<vmem>>, vector<1x256x2048xf32>,
    return
  }
  func.func @transform_0(%arg0: i32) -> (i32, i32, i32) {
    %c0_i32 = arith.constant 0 : i32
    %c0_i32_0 = arith.constant 0 : i32
    %c0_i32_1 = arith.constant 0 : i32
    return %arg0, %c0_i32, %c0_i32_0 : i32, i32, i32
  }
  func.func @transform_1(%arg0: i32) -> (i32, i32, i32) {
    %c0_i32 = arith.constant 0 : i32
    %c0_i32_0 = arith.constant 0 : i32
    %c0_i32_1 = arith.constant 0 : i32
    return %arg0, %c0_i32, %c0_i32_0 : i32, i32, i32
  }
  func.func @transform_2(%arg0: i32) -> (i32, i32, i32) {
    %c0_i32 = arith.constant 0 : i32
    %c0_i32_0 = arith.constant 0 : i32
    %c0_i32_1 = arith.constant 0 : i32
    return %arg0, %c0_i32, %c0_i32_0 : i32, i32, i32
  }
  func.func @transform_3(%arg0: i32) -> (i32, i32, i32) {
    %c0_i32 = arith.constant 0 : i32
    %c0_i32_0 = arith.constant 0 : i32
    %c0_i32_1 = arith.constant 0 : i32
    return %arg0, %c0_i32, %c0_i32_0 : i32, i32, i32
  }
  func.func @transform_4(%arg0: i32) -> (i32, i32) {
    %c0_i32 = arith.constant 0 : i32
    %c0_i32_0 = arith.constant 0 : i32
    %c0_i32_1 = arith.constant 0 : i32
    return %c0_i32, %c0_i32_0 : i32, i32
  }
  func.func @transform_5(%arg0: i32) -> (i32, i32) {
    %c0_i32 = arith.constant 0 : i32
    %c0_i32_0 = arith.constant 0 : i32
    %c0_i32_1 = arith.constant 0 : i32
    return %c0_i32, %c0_i32_0 : i32, i32
  }
  func.func @transform_6(%arg0: i32) -> (i32, i32, i32) {
    %c0_i32 = arith.constant 0 : i32
    %c0_i32_0 = arith.constant 0 : i32
    %c0_i32_1 = arith.constant 0 : i32
    return %arg0, %c0_i32, %c0_i32_0 : i32, i32, i32
  }
  func.func @transform_7(%arg0: i32) -> (i32, i32, i32) {
    %c0_i32 = arith.constant 0 : i32
    %c0_i32_0 = arith.constant 0 : i32
    %c0_i32_1 = arith.constant 0 : i32
    return %arg0, %c0_i32, %c0_i32_0 : i32, i32, i32
  }
}

module attributes {stable_mosaic.version = 14 : i64} {
  func.func @_geom_body(%arg0: i32, %arg1: memref<1x3x2048xf32, #tpu.memory_space<vmem>>, %arg2: memref<1x256x2048xf32, #tpu.memory_space<vmem>>, %arg3: memref<3x256xf32, #tpu.memory_space<vmem>>, %arg4: memref<1x3x64xf32, #tpu.memory_space<vmem>>, %arg5: memref<1x64x2048xf32, #tpu.memory_space<vmem>>, %arg6: memref<1x64x2048xf32, #tpu.memory_space<vmem>>) attributes {dimension_semantics = [#tpu.dimension_semantics<arbitrary>], iteration_bounds = array<i64: 16>, scalar_prefetch = 0 : i64, scratch_operands = 0 : i64, tpu.core_type = #tpu.core_type<tc>, window_params = [{transform_indices = @transform_0, window_bounds = array<i64: 1, 3, 2048>}, {transform_indices = @transform_1, window_bounds = array<i64: 1, 256, 2048>}, {pipeline_mode = #tpu.pipeline_mode<synchronous>, transform_indices = @transform_2, window_bounds = array<i64: 3, 256>}, {transform_indices = @transform_3, window_bounds = array<i64: 1, 3, 64>}, {transform_indices = @transform_4, window_bounds = array<i64: 1, 64, 2048>}, {transform_indices = @transform_5, window_bounds = array<i64: 1, 64, 2048>}]} {
    %get3A = arith.constant 0 : index
    %get3A_0 = arith.constant 0 : index
    %get3A_1 = arith.constant 0 : index
    %get3A_2 = vector.load %arg1[%get3A, %get3A_0, %get3A_1] : memref<1x3x2048xf32, #tpu.memory_space<vmem>>, vector<1x3x2048xf32>
    %get3A_3 = vector.shape_cast %get3A_2 : vector<1x3x2048xf32> to vector<3x2048xf32>
    %get3A_4 = arith.constant 0 : index
    %get3A_5 = arith.constant 0 : index
    %get3A_6 = arith.constant 0 : index
    %get3A_7 = vector.load %arg2[%get3A_4, %get3A_5, %get3A_6] : memref<1x256x2048xf32, #tpu.memory_space<vmem>>, vector<1x256x2048xf32>
    %get3A_8 = vector.shape_cast %get3A_7 : vector<1x256x2048xf32> to vector<256x2048xf32>
    %get3A_9 = arith.constant 0 : index
    %get3A_10 = arith.constant 0 : index
    %get3A_11 = vector.load %arg3[%get3A_9, %get3A_10] : memref<3x256xf32, #tpu.memory_space<vmem>>, vector<3x256xf32>
    %dot_general3A = arith.constant dense<0.000000e+00> : vector<3x2048xf32>
    %dot_general3A_12 = tpu.matmul %get3A_11, %get3A_8, %dot_general3A {dimension_numbers = #tpu.dot_dimension_numbers<[1], [0], [0], [1], [0, 0, 1, 1], [], []>, precision = #tpu.contract_precision<fp32>, transpose_lhs_hint = false} : vector<3x256xf32>, vector<256x2048xf32>, vector<3x2048xf32> -> vector<3x2048xf32>
    %iota3A = tpu.iota {dimensions = array<i32: 1>} : vector<1x2048xi32>
    %iota3A_13 = tpu.iota {dimensions = array<i32: 1>} : vector<1x64xi32>
    %broadcast_in_dim3A = arith.constant 1.000000e+10 : f32
    %broadcast_in_dim3A_14 = vector.broadcast %broadcast_in_dim3A : f32 to vector<1x2048xf32>
    %broadcast_in_dim3A_15 = arith.constant 0.000000e+00 : f32
    %broadcast_in_dim3A_16 = vector.broadcast %broadcast_in_dim3A_15 : f32 to vector<3x64xf32>
    %scan3A = arith.constant 0 : i32
    %scan3A_17 = arith.constant 0 : i32
    %scan3A_18 = arith.constant 64 : i32
    %scan3A_19 = arith.addi %scan3A_17, %scan3A_18 : i32
    %scan3A_20 = arith.constant 1 : i32
    %scan3A_21:4 = scf.for %scan3A_1114 = %scan3A_17 to %scan3A_19 step %scan3A_20 iter_args(%scan3A_1115 = %broadcast_in_dim3A_14, %scan3A_1116 = %scan3A, %scan3A_1117 = %broadcast_in_dim3A_16, %scan3A_1118 = %broadcast_in_dim3A_16) -> (vector<1x2048xf32>, i32, vector<3x64xf32>, vector<3x64xf32>)  : i32 {
      %eq3A_1119 = vector.broadcast %scan3A_1116 : i32 to vector<1x2048xi32>
      %eq3A_1120 = arith.cmpi eq, %iota3A, %eq3A_1119 : vector<1x2048xi32>
      %jit3A_1121 = arith.constant 0.000000e+00 : f32
      %broadcast_in_dim3A_1122 = vector.shape_cast %eq3A_1120 : vector<1x2048xi1> to vector<1x2048xi1>
      %broadcast_in_dim3A_1123 = vector.broadcast %broadcast_in_dim3A_1122 : vector<1x2048xi1> to vector<3x2048xi1>
      %broadcast_in_dim3A_1124 = vector.broadcast %jit3A_1121 : f32 to vector<3x2048xf32>
      %select_n3A_1125 = arith.select %broadcast_in_dim3A_1123, %get3A_3, %broadcast_in_dim3A_1124 : vector<3x2048xi1>, vector<3x2048xf32>
      %reduce_sum3A_1126 = arith.constant dense<0.000000e+00> : vector<3xf32>
      %reduce_sum3A_1127 = vector.multi_reduction <add>, %select_n3A_1125, %reduce_sum3A_1126 [1] : vector<3x2048xf32> to vector<3xf32>
      %broadcast_in_dim3A_1128 = vector.shape_cast %reduce_sum3A_1127 : vector<3xf32> to vector<3x1xf32>
      %jit3A_1129 = arith.constant 0.000000e+00 : f32
      %broadcast_in_dim3A_1130 = vector.shape_cast %eq3A_1120 : vector<1x2048xi1> to vector<1x2048xi1>
      %broadcast_in_dim3A_1131 = vector.broadcast %broadcast_in_dim3A_1130 : vector<1x2048xi1> to vector<3x2048xi1>
      %broadcast_in_dim3A_1132 = vector.broadcast %jit3A_1129 : f32 to vector<3x2048xf32>
      %select_n3A_1133 = arith.select %broadcast_in_dim3A_1131, %dot_general3A_12, %broadcast_in_dim3A_1132 : vector<3x2048xi1>, vector<3x2048xf32>
      %reduce_sum3A_1134 = arith.constant dense<0.000000e+00> : vector<3xf32>
      %reduce_sum3A_1135 = vector.multi_reduction <add>, %select_n3A_1133, %reduce_sum3A_1134 [1] : vector<3x2048xf32> to vector<3xf32>
      %broadcast_in_dim3A_1136 = vector.shape_cast %reduce_sum3A_1135 : vector<3xf32> to vector<3x1xf32>
      %eq3A_1137 = vector.broadcast %scan3A_1114 : i32 to vector<1x64xi32>
      %eq3A_1138 = arith.cmpi eq, %iota3A_13, %eq3A_1137 : vector<1x64xi32>
      %jit3A_1139 = arith.constant 0.000000e+00 : f32
      %broadcast_in_dim3A_1140 = vector.shape_cast %eq3A_1138 : vector<1x64xi1> to vector<1x64xi1>
      %broadcast_in_dim3A_1141 = vector.broadcast %broadcast_in_dim3A_1140 : vector<1x64xi1> to vector<3x64xi1>
      %broadcast_in_dim3A_1142 = vector.shape_cast %broadcast_in_dim3A_1128 : vector<3x1xf32> to vector<3x1xf32>
      %broadcast_in_dim3A_1143 = vector.broadcast %broadcast_in_dim3A_1142 : vector<3x1xf32> to vector<3x64xf32>
      %broadcast_in_dim3A_1144 = vector.broadcast %jit3A_1139 : f32 to vector<3x64xf32>
      %select_n3A_1145 = arith.select %broadcast_in_dim3A_1141, %broadcast_in_dim3A_1143, %broadcast_in_dim3A_1144 : vector<3x64xi1>, vector<3x64xf32>
      %add3A_1146 = arith.addf %scan3A_1117, %select_n3A_1145 : vector<3x64xf32>
      %jit3A_1147 = arith.constant 0.000000e+00 : f32
      %broadcast_in_dim3A_1148 = vector.shape_cast %eq3A_1138 : vector<1x64xi1> to vector<1x64xi1>
      %broadcast_in_dim3A_1149 = vector.broadcast %broadcast_in_dim3A_1148 : vector<1x64xi1> to vector<3x64xi1>
      %broadcast_in_dim3A_1150 = vector.shape_cast %broadcast_in_dim3A_1136 : vector<3x1xf32> to vector<3x1xf32>
      %broadcast_in_dim3A_1151 = vector.broadcast %broadcast_in_dim3A_1150 : vector<3x1xf32> to vector<3x64xf32>
      %broadcast_in_dim3A_1152 = vector.broadcast %jit3A_1147 : f32 to vector<3x64xf32>
      %select_n3A_1153 = arith.select %broadcast_in_dim3A_1149, %broadcast_in_dim3A_1151, %broadcast_in_dim3A_1152 : vector<3x64xi1>, vector<3x64xf32>
      %add3A_1154 = arith.addf %scan3A_1118, %select_n3A_1153 : vector<3x64xf32>
      %sub3A_1155 = vector.broadcast %broadcast_in_dim3A_1128 : vector<3x1xf32> to vector<3x2048xf32>
      %sub3A_1156 = arith.subf %get3A_3, %sub3A_1155 : vector<3x2048xf32>
      %slice3A_1157 = vector.extract_strided_slice %sub3A_1156 {offsets = [0, 0], sizes = [1, 2048], strides = [1, 1]} : vector<3x2048xf32> to vector<1x2048xf32>
      %slice3A_1158 = vector.extract_strided_slice %sub3A_1156 {offsets = [0, 0], sizes = [1, 2048], strides = [1, 1]} : vector<3x2048xf32> to vector<1x2048xf32>
      %mul3A_1159 = arith.mulf %slice3A_1157, %slice3A_1158 : vector<1x2048xf32>
      %slice3A_1160 = vector.extract_strided_slice %sub3A_1156 {offsets = [1, 0], sizes = [1, 2048], strides = [1, 1]} : vector<3x2048xf32> to vector<1x2048xf32>
      %slice3A_1161 = vector.extract_strided_slice %sub3A_1156 {offsets = [1, 0], sizes = [1, 2048], strides = [1, 1]} : vector<3x2048xf32> to vector<1x2048xf32>
      %mul3A_1162 = arith.mulf %slice3A_1160, %slice3A_1161 : vector<1x2048xf32>
      %add3A_1163 = arith.addf %mul3A_1159, %mul3A_1162 : vector<1x2048xf32>
      %slice3A_1164 = vector.extract_strided_slice %sub3A_1156 {offsets = [2, 0], sizes = [1, 2048], strides = [1, 1]} : vector<3x2048xf32> to vector<1x2048xf32>
      %slice3A_1165 = vector.extract_strided_slice %sub3A_1156 {offsets = [2, 0], sizes = [1, 2048], strides = [1, 1]} : vector<3x2048xf32> to vector<1x2048xf32>
      %mul3A_1166 = arith.mulf %slice3A_1164, %slice3A_1165 : vector<1x2048xf32>
      %add3A_1167 = arith.addf %add3A_1163, %mul3A_1166 : vector<1x2048xf32>
      %min3A = arith.minimumf %scan3A_1115, %add3A_1167 : vector<1x2048xf32>
      %reduce_max3A = arith.constant dense<0xFF800000> : vector<1xf32>
      %reduce_max3A_1168 = vector.multi_reduction <maximumf>, %min3A, %reduce_max3A [1] : vector<1x2048xf32> to vector<1xf32>
      %broadcast_in_dim3A_1169 = vector.shape_cast %reduce_max3A_1168 : vector<1xf32> to vector<1x1xf32>
      %eq3A_1170 = vector.broadcast %broadcast_in_dim3A_1169 : vector<1x1xf32> to vector<1x2048xf32>
      %eq3A_1171 = arith.cmpf oeq, %min3A, %eq3A_1170 : vector<1x2048xf32>
      %jit3A_1172 = arith.constant 2048 : i32
      %broadcast_in_dim3A_1173 = vector.broadcast %jit3A_1172 : i32 to vector<1x2048xi32>
      %select_n3A_1174 = arith.select %eq3A_1171, %iota3A, %broadcast_in_dim3A_1173 : vector<1x2048xi1>, vector<1x2048xi32>
      %reduce_min3A_1175 = vector.shape_cast %select_n3A_1174 : vector<1x2048xi32> to vector<1x1x2048xi32>
      %reduce_min3A_1176 = arith.constant dense<2147483647> : vector<1xi32>
      %reduce_min3A_1177 = vector.multi_reduction <minsi>, %reduce_min3A_1175, %reduce_min3A_1176 [1, 2] : vector<1x1x2048xi32> to vector<1xi32>
      %reduce_min3A_1178 = vector.shape_cast %reduce_min3A_1177 : vector<1xi32> to vector<1x1x1xi32>
      %reduce_min3A_1179 = vector.extract %reduce_min3A_1178[0, 0, 0] : i32 from vector<1x1x1xi32>
      scf.yield %min3A, %reduce_min3A_1179, %add3A_1146, %add3A_1154 : vector<1x2048xf32>, i32, vector<3x64xf32>, vector<3x64xf32>
    }
    %scan3A_22 = arith.constant 64 : i32
    %slice3A = vector.extract_strided_slice %scan3A_21#2 {offsets = [0, 0], sizes = [1, 64], strides = [1, 1]} : vector<3x64xf32> to vector<1x64xf32>
    %broadcast_in_dim3A_23 = arith.constant 1.000000e+00 : f32
    %broadcast_in_dim3A_24 = vector.broadcast %broadcast_in_dim3A_23 : f32 to vector<1x1xf32>
    %dot_general3A_25 = arith.constant dense<0.000000e+00> : vector<64x1xf32>
    %dot_general3A_26 = tpu.matmul %slice3A, %broadcast_in_dim3A_24, %dot_general3A_25 {dimension_numbers = #tpu.dot_dimension_numbers<[0], [0], [1], [1], [0, 1, 1, 1], [], []>, precision = #tpu.contract_precision<fp32>, transpose_lhs_hint = false} : vector<1x64xf32>, vector<1x1xf32>, vector<64x1xf32> -> vector<64x1xf32>
    %slice3A_27 = vector.extract_strided_slice %scan3A_21#2 {offsets = [1, 0], sizes = [1, 64], strides = [1, 1]} : vector<3x64xf32> to vector<1x64xf32>
    %broadcast_in_dim3A_28 = arith.constant 1.000000e+00 : f32
    %broadcast_in_dim3A_29 = vector.broadcast %broadcast_in_dim3A_28 : f32 to vector<1x1xf32>
    %dot_general3A_30 = arith.constant dense<0.000000e+00> : vector<64x1xf32>
    %dot_general3A_31 = tpu.matmul %slice3A_27, %broadcast_in_dim3A_29, %dot_general3A_30 {dimension_numbers = #tpu.dot_dimension_numbers<[0], [0], [1], [1], [0, 1, 1, 1], [], []>, precision = #tpu.contract_precision<fp32>, transpose_lhs_hint = false} : vector<1x64xf32>, vector<1x1xf32>, vector<64x1xf32> -> vector<64x1xf32>
    %slice3A_32 = vector.extract_strided_slice %scan3A_21#2 {offsets = [2, 0], sizes = [1, 64], strides = [1, 1]} : vector<3x64xf32> to vector<1x64xf32>
    %broadcast_in_dim3A_33 = arith.constant 1.000000e+00 : f32
    %broadcast_in_dim3A_34 = vector.broadcast %broadcast_in_dim3A_33 : f32 to vector<1x1xf32>
    %dot_general3A_35 = arith.constant dense<0.000000e+00> : vector<64x1xf32>
    %dot_general3A_36 = tpu.matmul %slice3A_32, %broadcast_in_dim3A_34, %dot_general3A_35 {dimension_numbers = #tpu.dot_dimension_numbers<[0], [0], [1], [1], [0, 1, 1, 1], [], []>, precision = #tpu.contract_precision<fp32>, transpose_lhs_hint = false} : vector<1x64xf32>, vector<1x1xf32>, vector<64x1xf32> -> vector<64x1xf32>
    %slice3A_37 = vector.extract_strided_slice %scan3A_21#3 {offsets = [0, 0], sizes = [1, 64], strides = [1, 1]} : vector<3x64xf32> to vector<1x64xf32>
    %broadcast_in_dim3A_38 = arith.constant 1.000000e+00 : f32
    %broadcast_in_dim3A_39 = vector.broadcast %broadcast_in_dim3A_38 : f32 to vector<1x1xf32>
    %dot_general3A_40 = arith.constant dense<0.000000e+00> : vector<64x1xf32>
    %dot_general3A_41 = tpu.matmul %slice3A_37, %broadcast_in_dim3A_39, %dot_general3A_40 {dimension_numbers = #tpu.dot_dimension_numbers<[0], [0], [1], [1], [0, 1, 1, 1], [], []>, precision = #tpu.contract_precision<fp32>, transpose_lhs_hint = false} : vector<1x64xf32>, vector<1x1xf32>, vector<64x1xf32> -> vector<64x1xf32>
    %slice3A_42 = vector.extract_strided_slice %scan3A_21#3 {offsets = [1, 0], sizes = [1, 64], strides = [1, 1]} : vector<3x64xf32> to vector<1x64xf32>
    %broadcast_in_dim3A_43 = arith.constant 1.000000e+00 : f32
    %broadcast_in_dim3A_44 = vector.broadcast %broadcast_in_dim3A_43 : f32 to vector<1x1xf32>
    %dot_general3A_45 = arith.constant dense<0.000000e+00> : vector<64x1xf32>
    %dot_general3A_46 = tpu.matmul %slice3A_42, %broadcast_in_dim3A_44, %dot_general3A_45 {dimension_numbers = #tpu.dot_dimension_numbers<[0], [0], [1], [1], [0, 1, 1, 1], [], []>, precision = #tpu.contract_precision<fp32>, transpose_lhs_hint = false} : vector<1x64xf32>, vector<1x1xf32>, vector<64x1xf32> -> vector<64x1xf32>
    %slice3A_47 = vector.extract_strided_slice %scan3A_21#3 {offsets = [2, 0], sizes = [1, 64], strides = [1, 1]} : vector<3x64xf32> to vector<1x64xf32>
    %broadcast_in_dim3A_48 = arith.constant 1.000000e+00 : f32
    %broadcast_in_dim3A_49 = vector.broadcast %broadcast_in_dim3A_48 : f32 to vector<1x1xf32>
    %dot_general3A_50 = arith.constant dense<0.000000e+00> : vector<64x1xf32>
    %dot_general3A_51 = tpu.matmul %slice3A_47, %broadcast_in_dim3A_49, %dot_general3A_50 {dimension_numbers = #tpu.dot_dimension_numbers<[0], [0], [1], [1], [0, 1, 1, 1], [], []>, precision = #tpu.contract_precision<fp32>, transpose_lhs_hint = false} : vector<1x64xf32>, vector<1x1xf32>, vector<64x1xf32> -> vector<64x1xf32>
    %slice3A_52 = vector.extract_strided_slice %get3A_3 {offsets = [0, 0], sizes = [1, 2048], strides = [1, 1]} : vector<3x2048xf32> to vector<1x2048xf32>
    %convert_element_type3A = arith.truncf %slice3A_52 : vector<1x2048xf32> to vector<1x2048xbf16>
    %convert_element_type3A_53 = arith.extf %convert_element_type3A : vector<1x2048xbf16> to vector<1x2048xf32>
    %slice3A_54 = vector.extract_strided_slice %get3A_3 {offsets = [1, 0], sizes = [1, 2048], strides = [1, 1]} : vector<3x2048xf32> to vector<1x2048xf32>
    %convert_element_type3A_55 = arith.truncf %slice3A_54 : vector<1x2048xf32> to vector<1x2048xbf16>
    %convert_element_type3A_56 = arith.extf %convert_element_type3A_55 : vector<1x2048xbf16> to vector<1x2048xf32>
    %slice3A_57 = vector.extract_strided_slice %get3A_3 {offsets = [2, 0], sizes = [1, 2048], strides = [1, 1]} : vector<3x2048xf32> to vector<1x2048xf32>
    %convert_element_type3A_58 = arith.truncf %slice3A_57 : vector<1x2048xf32> to vector<1x2048xbf16>
    %convert_element_type3A_59 = arith.extf %convert_element_type3A_58 : vector<1x2048xbf16> to vector<1x2048xf32>
    %slice3A_60 = vector.extract_strided_slice %get3A_3 {offsets = [0, 0], sizes = [1, 2048], strides = [1, 1]} : vector<3x2048xf32> to vector<1x2048xf32>
    %slice3A_61 = vector.extract_strided_slice %get3A_3 {offsets = [0, 0], sizes = [1, 2048], strides = [1, 1]} : vector<3x2048xf32> to vector<1x2048xf32>
    %mul3A = arith.mulf %slice3A_60, %slice3A_61 : vector<1x2048xf32>
    %slice3A_62 = vector.extract_strided_slice %get3A_3 {offsets = [1, 0], sizes = [1, 2048], strides = [1, 1]} : vector<3x2048xf32> to vector<1x2048xf32>
    %slice3A_63 = vector.extract_strided_slice %get3A_3 {offsets = [1, 0], sizes = [1, 2048], strides = [1, 1]} : vector<3x2048xf32> to vector<1x2048xf32>
    %mul3A_64 = arith.mulf %slice3A_62, %slice3A_63 : vector<1x2048xf32>
    %add3A = arith.addf %mul3A, %mul3A_64 : vector<1x2048xf32>
    %slice3A_65 = vector.extract_strided_slice %get3A_3 {offsets = [2, 0], sizes = [1, 2048], strides = [1, 1]} : vector<3x2048xf32> to vector<1x2048xf32>
    %slice3A_66 = vector.extract_strided_slice %get3A_3 {offsets = [2, 0], sizes = [1, 2048], strides = [1, 1]} : vector<3x2048xf32> to vector<1x2048xf32>
    %mul3A_67 = arith.mulf %slice3A_65, %slice3A_66 : vector<1x2048xf32>
    %add3A_68 = arith.addf %add3A, %mul3A_67 : vector<1x2048xf32>
    %mul3A_69 = arith.mulf %dot_general3A_26, %dot_general3A_26 : vector<64x1xf32>
    %mul3A_70 = arith.mulf %dot_general3A_31, %dot_general3A_31 : vector<64x1xf32>
    %add3A_71 = arith.addf %mul3A_69, %mul3A_70 : vector<64x1xf32>
    %mul3A_72 = arith.mulf %dot_general3A_36, %dot_general3A_36 : vector<64x1xf32>
    %add3A_73 = arith.addf %add3A_71, %mul3A_72 : vector<64x1xf32>
    %convert_element_type3A_74 = arith.truncf %dot_general3A_26 : vector<64x1xf32> to vector<64x1xbf16>
    %convert_element_type3A_75 = arith.extf %convert_element_type3A_74 : vector<64x1xbf16> to vector<64x1xf32>
    %mul3A_76 = vector.broadcast %convert_element_type3A_75 : vector<64x1xf32> to vector<64x2048xf32>
    %mul3A_77 = vector.broadcast %convert_element_type3A_53 : vector<1x2048xf32> to vector<64x2048xf32>
    %mul3A_78 = arith.mulf %mul3A_76, %mul3A_77 : vector<64x2048xf32>
    %convert_element_type3A_79 = arith.truncf %dot_general3A_31 : vector<64x1xf32> to vector<64x1xbf16>
    %convert_element_type3A_80 = arith.extf %convert_element_type3A_79 : vector<64x1xbf16> to vector<64x1xf32>
    %mul3A_81 = vector.broadcast %convert_element_type3A_80 : vector<64x1xf32> to vector<64x2048xf32>
    %mul3A_82 = vector.broadcast %convert_element_type3A_56 : vector<1x2048xf32> to vector<64x2048xf32>
    %mul3A_83 = arith.mulf %mul3A_81, %mul3A_82 : vector<64x2048xf32>
    %add3A_84 = arith.addf %mul3A_78, %mul3A_83 : vector<64x2048xf32>
    %convert_element_type3A_85 = arith.truncf %dot_general3A_36 : vector<64x1xf32> to vector<64x1xbf16>
    %convert_element_type3A_86 = arith.extf %convert_element_type3A_85 : vector<64x1xbf16> to vector<64x1xf32>
    %mul3A_87 = vector.broadcast %convert_element_type3A_86 : vector<64x1xf32> to vector<64x2048xf32>
    %mul3A_88 = vector.broadcast %convert_element_type3A_59 : vector<1x2048xf32> to vector<64x2048xf32>
    %mul3A_89 = arith.mulf %mul3A_87, %mul3A_88 : vector<64x2048xf32>
    %add3A_90 = arith.addf %add3A_84, %mul3A_89 : vector<64x2048xf32>
    %add3A_91 = vector.broadcast %add3A_73 : vector<64x1xf32> to vector<64x2048xf32>
    %add3A_92 = vector.broadcast %add3A_68 : vector<1x2048xf32> to vector<64x2048xf32>
    %add3A_93 = arith.addf %add3A_91, %add3A_92 : vector<64x2048xf32>
    %mul3A_94 = arith.constant 2.000000e+00 : f32
    %mul3A_95 = vector.broadcast %mul3A_94 : f32 to vector<64x2048xf32>
    %mul3A_96 = arith.mulf %mul3A_95, %add3A_90 : vector<64x2048xf32>
    %sub3A = arith.subf %add3A_93, %mul3A_96 : vector<64x2048xf32>
    %le3A = arith.constant 9.000000e-02 : f32
    %le3A_97 = vector.broadcast %le3A : f32 to vector<64x2048xf32>
    %le3A_98 = arith.cmpf ole, %sub3A, %le3A_97 : vector<64x2048xf32>
    %convert_element_type3A_99 = arith.extui %le3A_98 : vector<64x2048xi1> to vector<64x2048xi32>
    %convert_element_type3A_100 = arith.sitofp %convert_element_type3A_99 : vector<64x2048xi32> to vector<64x2048xf32>
    %broadcast_in_dim3A_101 = arith.constant 0.000000e+00 : f32
    %broadcast_in_dim3A_102 = vector.broadcast %broadcast_in_dim3A_101 : f32 to vector<64x1xf32>
    %slice3A_103 = vector.extract_strided_slice %convert_element_type3A_100 {offsets = [0, 0], sizes = [64, 2047], strides = [1, 1]} : vector<64x2048xf32> to vector<64x2047xf32>
    %concatenate3A = tpu.concatenate %broadcast_in_dim3A_102, %slice3A_103 in 1 : vector<64x1xf32>, vector<64x2047xf32> -> vector<64x2048xf32>
    %add3A_104 = arith.addf %convert_element_type3A_100, %concatenate3A : vector<64x2048xf32>
    %broadcast_in_dim3A_105 = arith.constant 0.000000e+00 : f32
    %broadcast_in_dim3A_106 = vector.broadcast %broadcast_in_dim3A_105 : f32 to vector<64x2xf32>
    %slice3A_107 = vector.extract_strided_slice %add3A_104 {offsets = [0, 0], sizes = [64, 2046], strides = [1, 1]} : vector<64x2048xf32> to vector<64x2046xf32>
    %concatenate3A_108 = tpu.concatenate %broadcast_in_dim3A_106, %slice3A_107 in 1 : vector<64x2xf32>, vector<64x2046xf32> -> vector<64x2048xf32>
    %add3A_109 = arith.addf %add3A_104, %concatenate3A_108 : vector<64x2048xf32>
    %broadcast_in_dim3A_110 = arith.constant 0.000000e+00 : f32
    %broadcast_in_dim3A_111 = vector.broadcast %broadcast_in_dim3A_110 : f32 to vector<64x4xf32>
    %slice3A_112 = vector.extract_strided_slice %add3A_109 {offsets = [0, 0], sizes = [64, 2044], strides = [1, 1]} : vector<64x2048xf32> to vector<64x2044xf32>
    %concatenate3A_113 = tpu.concatenate %broadcast_in_dim3A_111, %slice3A_112 in 1 : vector<64x4xf32>, vector<64x2044xf32> -> vector<64x2048xf32>
    %add3A_114 = arith.addf %add3A_109, %concatenate3A_113 : vector<64x2048xf32>
    %broadcast_in_dim3A_115 = arith.constant 0.000000e+00 : f32
    %broadcast_in_dim3A_116 = vector.broadcast %broadcast_in_dim3A_115 : f32 to vector<64x8xf32>
    %slice3A_117 = vector.extract_strided_slice %add3A_114 {offsets = [0, 0], sizes = [64, 2040], strides = [1, 1]} : vector<64x2048xf32> to vector<64x2040xf32>
    %concatenate3A_118 = tpu.concatenate %broadcast_in_dim3A_116, %slice3A_117 in 1 : vector<64x8xf32>, vector<64x2040xf32> -> vector<64x2048xf32>
    %add3A_119 = arith.addf %add3A_114, %concatenate3A_118 : vector<64x2048xf32>
    %broadcast_in_dim3A_120 = arith.constant 0.000000e+00 : f32
    %broadcast_in_dim3A_121 = vector.broadcast %broadcast_in_dim3A_120 : f32 to vector<64x16xf32>
    %slice3A_122 = vector.extract_strided_slice %add3A_119 {offsets = [0, 0], sizes = [64, 2032], strides = [1, 1]} : vector<64x2048xf32> to vector<64x2032xf32>
    %concatenate3A_123 = tpu.concatenate %broadcast_in_dim3A_121, %slice3A_122 in 1 : vector<64x16xf32>, vector<64x2032xf32> -> vector<64x2048xf32>
    %add3A_124 = arith.addf %add3A_119, %concatenate3A_123 : vector<64x2048xf32>
    %broadcast_in_dim3A_125 = arith.constant 0.000000e+00 : f32
    %broadcast_in_dim3A_126 = vector.broadcast %broadcast_in_dim3A_125 : f32 to vector<64x32xf32>
    %slice3A_127 = vector.extract_strided_slice %add3A_124 {offsets = [0, 0], sizes = [64, 2016], strides = [1, 1]} : vector<64x2048xf32> to vector<64x2016xf32>
    %concatenate3A_128 = tpu.concatenate %broadcast_in_dim3A_126, %slice3A_127 in 1 : vector<64x32xf32>, vector<64x2016xf32> -> vector<64x2048xf32>
    %add3A_129 = arith.addf %add3A_124, %concatenate3A_128 : vector<64x2048xf32>
    %broadcast_in_dim3A_130 = arith.constant 0.000000e+00 : f32
    %broadcast_in_dim3A_131 = vector.broadcast %broadcast_in_dim3A_130 : f32 to vector<64x64xf32>
    %slice3A_132 = vector.extract_strided_slice %add3A_129 {offsets = [0, 0], sizes = [64, 1984], strides = [1, 1]} : vector<64x2048xf32> to vector<64x1984xf32>
    %concatenate3A_133 = tpu.concatenate %broadcast_in_dim3A_131, %slice3A_132 in 1 : vector<64x64xf32>, vector<64x1984xf32> -> vector<64x2048xf32>
    %add3A_134 = arith.addf %add3A_129, %concatenate3A_133 : vector<64x2048xf32>
    %broadcast_in_dim3A_135 = arith.constant 0.000000e+00 : f32
    %broadcast_in_dim3A_136 = vector.broadcast %broadcast_in_dim3A_135 : f32 to vector<64x128xf32>
    %slice3A_137 = vector.extract_strided_slice %add3A_134 {offsets = [0, 0], sizes = [64, 1920], strides = [1, 1]} : vector<64x2048xf32> to vector<64x1920xf32>
    %concatenate3A_138 = tpu.concatenate %broadcast_in_dim3A_136, %slice3A_137 in 1 : vector<64x128xf32>, vector<64x1920xf32> -> vector<64x2048xf32>
    %add3A_139 = arith.addf %add3A_134, %concatenate3A_138 : vector<64x2048xf32>
    %broadcast_in_dim3A_140 = arith.constant 0.000000e+00 : f32
    %broadcast_in_dim3A_141 = vector.broadcast %broadcast_in_dim3A_140 : f32 to vector<64x256xf32>
    %slice3A_142 = vector.extract_strided_slice %add3A_139 {offsets = [0, 0], sizes = [64, 1792], strides = [1, 1]} : vector<64x2048xf32> to vector<64x1792xf32>
    %concatenate3A_143 = tpu.concatenate %broadcast_in_dim3A_141, %slice3A_142 in 1 : vector<64x256xf32>, vector<64x1792xf32> -> vector<64x2048xf32>
    %add3A_144 = arith.addf %add3A_139, %concatenate3A_143 : vector<64x2048xf32>
    %broadcast_in_dim3A_145 = arith.constant 0.000000e+00 : f32
    %broadcast_in_dim3A_146 = vector.broadcast %broadcast_in_dim3A_145 : f32 to vector<64x512xf32>
    %slice3A_147 = vector.extract_strided_slice %add3A_144 {offsets = [0, 0], sizes = [64, 1536], strides = [1, 1]} : vector<64x2048xf32> to vector<64x1536xf32>
    %concatenate3A_148 = tpu.concatenate %broadcast_in_dim3A_146, %slice3A_147 in 1 : vector<64x512xf32>, vector<64x1536xf32> -> vector<64x2048xf32>
    %add3A_149 = arith.addf %add3A_144, %concatenate3A_148 : vector<64x2048xf32>
    %broadcast_in_dim3A_150 = arith.constant 0.000000e+00 : f32
    %broadcast_in_dim3A_151 = vector.broadcast %broadcast_in_dim3A_150 : f32 to vector<64x1024xf32>
    %slice3A_152 = vector.extract_strided_slice %add3A_149 {offsets = [0, 0], sizes = [64, 1024], strides = [1, 1]} : vector<64x2048xf32> to vector<64x1024xf32>
    %concatenate3A_153 = tpu.concatenate %broadcast_in_dim3A_151, %slice3A_152 in 1 : vector<64x1024xf32>, vector<64x1024xf32> -> vector<64x2048xf32>
    %add3A_154 = arith.addf %add3A_149, %concatenate3A_153 : vector<64x2048xf32>
    %sub3A_155 = arith.subf %add3A_154, %convert_element_type3A_100 : vector<64x2048xf32>
    %reduce_sum3A = arith.constant dense<0.000000e+00> : vector<64xf32>
    %reduce_sum3A_156 = vector.multi_reduction <add>, %convert_element_type3A_100, %reduce_sum3A [1] : vector<64x2048xf32> to vector<64xf32>
    %broadcast_in_dim3A_157 = vector.shape_cast %reduce_sum3A_156 : vector<64xf32> to vector<64x1xf32>
    %lt3A = arith.constant 6.400000e+01 : f32
    %lt3A_158 = vector.broadcast %lt3A : f32 to vector<64x2048xf32>
    %lt3A_159 = arith.cmpf olt, %sub3A_155, %lt3A_158 : vector<64x2048xf32>
    %and3A = arith.andi %le3A_98, %lt3A_159 : vector<64x2048xi1>
    %jit3A = arith.constant 1.000000e+00 : f32
    %jit3A_160 = arith.constant 0.000000e+00 : f32
    %broadcast_in_dim3A_161 = vector.broadcast %jit3A : f32 to vector<64x2048xf32>
    %broadcast_in_dim3A_162 = vector.broadcast %jit3A_160 : f32 to vector<64x2048xf32>
    %select_n3A = arith.select %and3A, %broadcast_in_dim3A_161, %broadcast_in_dim3A_162 : vector<64x2048xi1>, vector<64x2048xf32>
    %eq3A = arith.constant 0.000000e+00 : f32
    %eq3A_163 = vector.broadcast %eq3A : f32 to vector<64x2048xf32>
    %eq3A_164 = arith.cmpf oeq, %sub3A_155, %eq3A_163 : vector<64x2048xf32>
    %and3A_165 = arith.andi %le3A_98, %eq3A_164 : vector<64x2048xi1>
    %jit3A_166 = arith.constant 1.000000e+00 : f32
    %jit3A_167 = arith.constant 0.000000e+00 : f32
    %broadcast_in_dim3A_168 = vector.broadcast %jit3A_166 : f32 to vector<64x2048xf32>
    %broadcast_in_dim3A_169 = vector.broadcast %jit3A_167 : f32 to vector<64x2048xf32>
    %select_n3A_170 = arith.select %and3A_165, %broadcast_in_dim3A_168, %broadcast_in_dim3A_169 : vector<64x2048xi1>, vector<64x2048xf32>
    %sub3A_171 = arith.constant 6.400000e+01 : f32
    %sub3A_172 = vector.broadcast %sub3A_171 : f32 to vector<64x1xf32>
    %sub3A_173 = arith.subf %sub3A_172, %broadcast_in_dim3A_157 : vector<64x1xf32>
    %max3A = arith.constant 0.000000e+00 : f32
    %max3A_174 = vector.broadcast %max3A : f32 to vector<64x1xf32>
    %max3A_175 = arith.maximumf %sub3A_173, %max3A_174 : vector<64x1xf32>
    %slice3A_176 = vector.extract_strided_slice %dot_general3A_12 {offsets = [0, 0], sizes = [1, 2048], strides = [1, 1]} : vector<3x2048xf32> to vector<1x2048xf32>
    %sub3A_177 = vector.broadcast %slice3A_176 : vector<1x2048xf32> to vector<64x2048xf32>
    %sub3A_178 = vector.broadcast %dot_general3A_41 : vector<64x1xf32> to vector<64x2048xf32>
    %sub3A_179 = arith.subf %sub3A_177, %sub3A_178 : vector<64x2048xf32>
    %tanh3A = math.tanh %sub3A_179 : vector<64x2048xf32>
    %slice3A_180 = vector.extract_strided_slice %get3A_3 {offsets = [0, 0], sizes = [1, 2048], strides = [1, 1]} : vector<3x2048xf32> to vector<1x2048xf32>
    %sub3A_181 = vector.broadcast %slice3A_180 : vector<1x2048xf32> to vector<64x2048xf32>
    %sub3A_182 = vector.broadcast %dot_general3A_26 : vector<64x1xf32> to vector<64x2048xf32>
    %sub3A_183 = arith.subf %sub3A_181, %sub3A_182 : vector<64x2048xf32>
    %mul3A_184 = arith.mulf %tanh3A, %sub3A_183 : vector<64x2048xf32>
    %mul3A_185 = arith.mulf %mul3A_184, %select_n3A : vector<64x2048xf32>
    %reduce_sum3A_186 = arith.constant dense<0.000000e+00> : vector<64xf32>
    %reduce_sum3A_187 = vector.multi_reduction <add>, %mul3A_185, %reduce_sum3A_186 [1] : vector<64x2048xf32> to vector<64xf32>
    %broadcast_in_dim3A_188 = vector.shape_cast %reduce_sum3A_187 : vector<64xf32> to vector<64x1xf32>
    %mul3A_189 = arith.mulf %mul3A_184, %select_n3A_170 : vector<64x2048xf32>
    %reduce_sum3A_190 = arith.constant dense<0.000000e+00> : vector<64xf32>
    %reduce_sum3A_191 = vector.multi_reduction <add>, %mul3A_189, %reduce_sum3A_190 [1] : vector<64x2048xf32> to vector<64xf32>
    %broadcast_in_dim3A_192 = vector.shape_cast %reduce_sum3A_191 : vector<64xf32> to vector<64x1xf32>
    %mul3A_193 = arith.mulf %max3A_175, %broadcast_in_dim3A_192 : vector<64x1xf32>
    %add3A_194 = arith.addf %broadcast_in_dim3A_188, %mul3A_193 : vector<64x1xf32>
    %mul3A_195 = arith.constant 1.562500e-02 : f32
    %mul3A_196 = vector.broadcast %mul3A_195 : f32 to vector<64x1xf32>
    %mul3A_197 = arith.mulf %add3A_194, %mul3A_196 : vector<64x1xf32>
    %broadcast_in_dim3A_198 = arith.constant 1.000000e+00 : f32
    %broadcast_in_dim3A_199 = vector.broadcast %broadcast_in_dim3A_198 : f32 to vector<1x1xf32>
    %dot_general3A_200 = arith.constant dense<0.000000e+00> : vector<1x64xf32>
    %dot_general3A_201 = tpu.matmul %broadcast_in_dim3A_199, %mul3A_197, %dot_general3A_200 {dimension_numbers = #tpu.dot_dimension_numbers<[1], [1], [0], [0], [0, 0, 1, 0], [], []>, precision = #tpu.contract_precision<fp32>, transpose_lhs_hint = false} : vector<1x1xf32>, vector<64x1xf32>, vector<1x64xf32> -> vector<1x64xf32>
    %add3A_202 = arith.addf %dot_general3A_26, %mul3A_197 : vector<64x1xf32>
    %slice3A_203 = vector.extract_strided_slice %dot_general3A_12 {offsets = [1, 0], sizes = [1, 2048], strides = [1, 1]} : vector<3x2048xf32> to vector<1x2048xf32>
    %sub3A_204 = vector.broadcast %slice3A_203 : vector<1x2048xf32> to vector<64x2048xf32>
    %sub3A_205 = vector.broadcast %dot_general3A_46 : vector<64x1xf32> to vector<64x2048xf32>
    %sub3A_206 = arith.subf %sub3A_204, %sub3A_205 : vector<64x2048xf32>
    %tanh3A_207 = math.tanh %sub3A_206 : vector<64x2048xf32>
    %slice3A_208 = vector.extract_strided_slice %get3A_3 {offsets = [1, 0], sizes = [1, 2048], strides = [1, 1]} : vector<3x2048xf32> to vector<1x2048xf32>
    %sub3A_209 = vector.broadcast %slice3A_208 : vector<1x2048xf32> to vector<64x2048xf32>
    %sub3A_210 = vector.broadcast %dot_general3A_31 : vector<64x1xf32> to vector<64x2048xf32>
    %sub3A_211 = arith.subf %sub3A_209, %sub3A_210 : vector<64x2048xf32>
    %mul3A_212 = arith.mulf %tanh3A_207, %sub3A_211 : vector<64x2048xf32>
    %mul3A_213 = arith.mulf %mul3A_212, %select_n3A : vector<64x2048xf32>
    %reduce_sum3A_214 = arith.constant dense<0.000000e+00> : vector<64xf32>
    %reduce_sum3A_215 = vector.multi_reduction <add>, %mul3A_213, %reduce_sum3A_214 [1] : vector<64x2048xf32> to vector<64xf32>
    %broadcast_in_dim3A_216 = vector.shape_cast %reduce_sum3A_215 : vector<64xf32> to vector<64x1xf32>
    %mul3A_217 = arith.mulf %mul3A_212, %select_n3A_170 : vector<64x2048xf32>
    %reduce_sum3A_218 = arith.constant dense<0.000000e+00> : vector<64xf32>
    %reduce_sum3A_219 = vector.multi_reduction <add>, %mul3A_217, %reduce_sum3A_218 [1] : vector<64x2048xf32> to vector<64xf32>
    %broadcast_in_dim3A_220 = vector.shape_cast %reduce_sum3A_219 : vector<64xf32> to vector<64x1xf32>
    %mul3A_221 = arith.mulf %max3A_175, %broadcast_in_dim3A_220 : vector<64x1xf32>
    %add3A_222 = arith.addf %broadcast_in_dim3A_216, %mul3A_221 : vector<64x1xf32>
    %mul3A_223 = arith.constant 1.562500e-02 : f32
    %mul3A_224 = vector.broadcast %mul3A_223 : f32 to vector<64x1xf32>
    %mul3A_225 = arith.mulf %add3A_222, %mul3A_224 : vector<64x1xf32>
    %broadcast_in_dim3A_226 = arith.constant 1.000000e+00 : f32
    %broadcast_in_dim3A_227 = vector.broadcast %broadcast_in_dim3A_226 : f32 to vector<1x1xf32>
    %dot_general3A_228 = arith.constant dense<0.000000e+00> : vector<1x64xf32>
    %dot_general3A_229 = tpu.matmul %broadcast_in_dim3A_227, %mul3A_225, %dot_general3A_228 {dimension_numbers = #tpu.dot_dimension_numbers<[1], [1], [0], [0], [0, 0, 1, 0], [], []>, precision = #tpu.contract_precision<fp32>, transpose_lhs_hint = false} : vector<1x1xf32>, vector<64x1xf32>, vector<1x64xf32> -> vector<1x64xf32>
    %add3A_230 = arith.addf %dot_general3A_31, %mul3A_225 : vector<64x1xf32>
    %slice3A_231 = vector.extract_strided_slice %dot_general3A_12 {offsets = [2, 0], sizes = [1, 2048], strides = [1, 1]} : vector<3x2048xf32> to vector<1x2048xf32>
    %sub3A_232 = vector.broadcast %slice3A_231 : vector<1x2048xf32> to vector<64x2048xf32>
    %sub3A_233 = vector.broadcast %dot_general3A_51 : vector<64x1xf32> to vector<64x2048xf32>
    %sub3A_234 = arith.subf %sub3A_232, %sub3A_233 : vector<64x2048xf32>
    %tanh3A_235 = math.tanh %sub3A_234 : vector<64x2048xf32>
    %slice3A_236 = vector.extract_strided_slice %get3A_3 {offsets = [2, 0], sizes = [1, 2048], strides = [1, 1]} : vector<3x2048xf32> to vector<1x2048xf32>
    %sub3A_237 = vector.broadcast %slice3A_236 : vector<1x2048xf32> to vector<64x2048xf32>
    %sub3A_238 = vector.broadcast %dot_general3A_36 : vector<64x1xf32> to vector<64x2048xf32>
    %sub3A_239 = arith.subf %sub3A_237, %sub3A_238 : vector<64x2048xf32>
    %mul3A_240 = arith.mulf %tanh3A_235, %sub3A_239 : vector<64x2048xf32>
    %mul3A_241 = arith.mulf %mul3A_240, %select_n3A : vector<64x2048xf32>
    %reduce_sum3A_242 = arith.constant dense<0.000000e+00> : vector<64xf32>
    %reduce_sum3A_243 = vector.multi_reduction <add>, %mul3A_241, %reduce_sum3A_242 [1] : vector<64x2048xf32> to vector<64xf32>
    %broadcast_in_dim3A_244 = vector.shape_cast %reduce_sum3A_243 : vector<64xf32> to vector<64x1xf32>
    %mul3A_245 = arith.mulf %mul3A_240, %select_n3A_170 : vector<64x2048xf32>
    %reduce_sum3A_246 = arith.constant dense<0.000000e+00> : vector<64xf32>
    %reduce_sum3A_247 = vector.multi_reduction <add>, %mul3A_245, %reduce_sum3A_246 [1] : vector<64x2048xf32> to vector<64xf32>
    %broadcast_in_dim3A_248 = vector.shape_cast %reduce_sum3A_247 : vector<64xf32> to vector<64x1xf32>
    %mul3A_249 = arith.mulf %max3A_175, %broadcast_in_dim3A_248 : vector<64x1xf32>
    %add3A_250 = arith.addf %broadcast_in_dim3A_244, %mul3A_249 : vector<64x1xf32>
    %mul3A_251 = arith.constant 1.562500e-02 : f32
    %mul3A_252 = vector.broadcast %mul3A_251 : f32 to vector<64x1xf32>
    %mul3A_253 = arith.mulf %add3A_250, %mul3A_252 : vector<64x1xf32>
    %broadcast_in_dim3A_254 = arith.constant 1.000000e+00 : f32
    %broadcast_in_dim3A_255 = vector.broadcast %broadcast_in_dim3A_254 : f32 to vector<1x1xf32>
    %dot_general3A_256 = arith.constant dense<0.000000e+00> : vector<1x64xf32>
    %dot_general3A_257 = tpu.matmul %broadcast_in_dim3A_255, %mul3A_253, %dot_general3A_256 {dimension_numbers = #tpu.dot_dimension_numbers<[1], [1], [0], [0], [0, 0, 1, 0], [], []>, precision = #tpu.contract_precision<fp32>, transpose_lhs_hint = false} : vector<1x1xf32>, vector<64x1xf32>, vector<1x64xf32> -> vector<1x64xf32>
    %add3A_258 = arith.addf %dot_general3A_36, %mul3A_253 : vector<64x1xf32>
    %concatenate3A_259 = tpu.concatenate %dot_general3A_201, %dot_general3A_229, %dot_general3A_257 in 0 : vector<1x64xf32>, vector<1x64xf32>, vector<1x64xf32> -> vector<3x64xf32>
    %swap3A = arith.constant 0 : index
    %swap3A_260 = arith.constant 0 : index
    %swap3A_261 = arith.constant 0 : index
    %swap3A_262 = vector.load %arg4[%swap3A, %swap3A_260, %swap3A_261] : memref<1x3x64xf32, #tpu.memory_space<vmem>>, vector<1x3x64xf32>
    %swap3A_263 = vector.shape_cast %swap3A_262 : vector<1x3x64xf32> to vector<3x64xf32>
    %swap3A_264 = vector.shape_cast %concatenate3A_259 : vector<3x64xf32> to vector<1x3x64xf32>
    tpu.vector_store %arg4[%swap3A, %swap3A_260, %swap3A_261], %swap3A_264 {strides = array<i32>} : memref<1x3x64xf32, #tpu.memory_space<vmem>>, vector<1x3x64xf32>,
    %mul3A_265 = arith.mulf %add3A_202, %add3A_202 : vector<64x1xf32>
    %mul3A_266 = arith.mulf %add3A_230, %add3A_230 : vector<64x1xf32>
    %add3A_267 = arith.addf %mul3A_265, %mul3A_266 : vector<64x1xf32>
    %mul3A_268 = arith.mulf %add3A_258, %add3A_258 : vector<64x1xf32>
    %add3A_269 = arith.addf %add3A_267, %mul3A_268 : vector<64x1xf32>
    %convert_element_type3A_270 = arith.truncf %add3A_202 : vector<64x1xf32> to vector<64x1xbf16>
    %convert_element_type3A_271 = arith.extf %convert_element_type3A_270 : vector<64x1xbf16> to vector<64x1xf32>
    %mul3A_272 = vector.broadcast %convert_element_type3A_271 : vector<64x1xf32> to vector<64x2048xf32>
    %mul3A_273 = vector.broadcast %convert_element_type3A_53 : vector<1x2048xf32> to vector<64x2048xf32>
    %mul3A_274 = arith.mulf %mul3A_272, %mul3A_273 : vector<64x2048xf32>
    %convert_element_type3A_275 = arith.truncf %add3A_230 : vector<64x1xf32> to vector<64x1xbf16>
    %convert_element_type3A_276 = arith.extf %convert_element_type3A_275 : vector<64x1xbf16> to vector<64x1xf32>
    %mul3A_277 = vector.broadcast %convert_element_type3A_276 : vector<64x1xf32> to vector<64x2048xf32>
    %mul3A_278 = vector.broadcast %convert_element_type3A_56 : vector<1x2048xf32> to vector<64x2048xf32>
    %mul3A_279 = arith.mulf %mul3A_277, %mul3A_278 : vector<64x2048xf32>
    %add3A_280 = arith.addf %mul3A_274, %mul3A_279 : vector<64x2048xf32>
    %convert_element_type3A_281 = arith.truncf %add3A_258 : vector<64x1xf32> to vector<64x1xbf16>
    %convert_element_type3A_282 = arith.extf %convert_element_type3A_281 : vector<64x1xbf16> to vector<64x1xf32>
    %mul3A_283 = vector.broadcast %convert_element_type3A_282 : vector<64x1xf32> to vector<64x2048xf32>
    %mul3A_284 = vector.broadcast %convert_element_type3A_59 : vector<1x2048xf32> to vector<64x2048xf32>
    %mul3A_285 = arith.mulf %mul3A_283, %mul3A_284 : vector<64x2048xf32>
    %add3A_286 = arith.addf %add3A_280, %mul3A_285 : vector<64x2048xf32>
    %add3A_287 = vector.broadcast %add3A_269 : vector<64x1xf32> to vector<64x2048xf32>
    %add3A_288 = vector.broadcast %add3A_68 : vector<1x2048xf32> to vector<64x2048xf32>
    %add3A_289 = arith.addf %add3A_287, %add3A_288 : vector<64x2048xf32>
    %mul3A_290 = arith.constant 2.000000e+00 : f32
    %mul3A_291 = vector.broadcast %mul3A_290 : f32 to vector<64x2048xf32>
    %mul3A_292 = arith.mulf %mul3A_291, %add3A_286 : vector<64x2048xf32>
    %sub3A_293 = arith.subf %add3A_289, %mul3A_292 : vector<64x2048xf32>
    %max3A_294 = arith.constant 0.000000e+00 : f32
    %max3A_295 = vector.broadcast %max3A_294 : f32 to vector<64x2048xf32>
    %max3A_296 = arith.maximumf %sub3A_293, %max3A_295 : vector<64x2048xf32>
    %bitcast_convert_type3A = tpu.bitcast %max3A_296 : vector<64x2048xf32> -> vector<64x2048xi32>
    %broadcast_in_dim3A_297 = arith.constant 0 : i32
    %broadcast_in_dim3A_298 = vector.broadcast %broadcast_in_dim3A_297 : i32 to vector<64x1xi32>
    %or3A = arith.constant 1073741824 : i32
    %or3A_299 = vector.broadcast %or3A : i32 to vector<64x1xi32>
    %or3A_300 = arith.ori %broadcast_in_dim3A_298, %or3A_299 : vector<64x1xi32>
    %lt3A_301 = vector.broadcast %or3A_300 : vector<64x1xi32> to vector<64x2048xi32>
    %lt3A_302 = arith.cmpi slt, %bitcast_convert_type3A, %lt3A_301 : vector<64x2048xi32>
    %jit3A_303 = arith.constant 1.000000e+00 : f32
    %jit3A_304 = arith.constant 0.000000e+00 : f32
    %broadcast_in_dim3A_305 = vector.broadcast %jit3A_303 : f32 to vector<64x2048xf32>
    %broadcast_in_dim3A_306 = vector.broadcast %jit3A_304 : f32 to vector<64x2048xf32>
    %select_n3A_307 = arith.select %lt3A_302, %broadcast_in_dim3A_305, %broadcast_in_dim3A_306 : vector<64x2048xi1>, vector<64x2048xf32>
    %reduce_sum3A_308 = arith.constant dense<0.000000e+00> : vector<64xf32>
    %reduce_sum3A_309 = vector.multi_reduction <add>, %select_n3A_307, %reduce_sum3A_308 [1] : vector<64x2048xf32> to vector<64xf32>
    %broadcast_in_dim3A_310 = vector.shape_cast %reduce_sum3A_309 : vector<64xf32> to vector<64x1xf32>
    %lt3A_311 = arith.constant 6.400000e+01 : f32
    %lt3A_312 = vector.broadcast %lt3A_311 : f32 to vector<64x1xf32>
    %lt3A_313 = arith.cmpf olt, %broadcast_in_dim3A_310, %lt3A_312 : vector<64x1xf32>
    %select_n3A_314 = arith.select %lt3A_313, %or3A_300, %broadcast_in_dim3A_298 : vector<64x1xi1>, vector<64x1xi32>
    %or3A_315 = arith.constant 536870912 : i32
    %or3A_316 = vector.broadcast %or3A_315 : i32 to vector<64x1xi32>
    %or3A_317 = arith.ori %select_n3A_314, %or3A_316 : vector<64x1xi32>
    %lt3A_318 = vector.broadcast %or3A_317 : vector<64x1xi32> to vector<64x2048xi32>
    %lt3A_319 = arith.cmpi slt, %bitcast_convert_type3A, %lt3A_318 : vector<64x2048xi32>
    %jit3A_320 = arith.constant 1.000000e+00 : f32
    %jit3A_321 = arith.constant 0.000000e+00 : f32
    %broadcast_in_dim3A_322 = vector.broadcast %jit3A_320 : f32 to vector<64x2048xf32>
    %broadcast_in_dim3A_323 = vector.broadcast %jit3A_321 : f32 to vector<64x2048xf32>
    %select_n3A_324 = arith.select %lt3A_319, %broadcast_in_dim3A_322, %broadcast_in_dim3A_323 : vector<64x2048xi1>, vector<64x2048xf32>
    %reduce_sum3A_325 = arith.constant dense<0.000000e+00> : vector<64xf32>
    %reduce_sum3A_326 = vector.multi_reduction <add>, %select_n3A_324, %reduce_sum3A_325 [1] : vector<64x2048xf32> to vector<64xf32>
    %broadcast_in_dim3A_327 = vector.shape_cast %reduce_sum3A_326 : vector<64xf32> to vector<64x1xf32>
    %lt3A_328 = arith.constant 6.400000e+01 : f32
    %lt3A_329 = vector.broadcast %lt3A_328 : f32 to vector<64x1xf32>
    %lt3A_330 = arith.cmpf olt, %broadcast_in_dim3A_327, %lt3A_329 : vector<64x1xf32>
    %select_n3A_331 = arith.select %lt3A_330, %or3A_317, %select_n3A_314 : vector<64x1xi1>, vector<64x1xi32>
    %or3A_332 = arith.constant 268435456 : i32
    %or3A_333 = vector.broadcast %or3A_332 : i32 to vector<64x1xi32>
    %or3A_334 = arith.ori %select_n3A_331, %or3A_333 : vector<64x1xi32>
    %lt3A_335 = vector.broadcast %or3A_334 : vector<64x1xi32> to vector<64x2048xi32>
    %lt3A_336 = arith.cmpi slt, %bitcast_convert_type3A, %lt3A_335 : vector<64x2048xi32>
    %jit3A_337 = arith.constant 1.000000e+00 : f32
    %jit3A_338 = arith.constant 0.000000e+00 : f32
    %broadcast_in_dim3A_339 = vector.broadcast %jit3A_337 : f32 to vector<64x2048xf32>
    %broadcast_in_dim3A_340 = vector.broadcast %jit3A_338 : f32 to vector<64x2048xf32>
    %select_n3A_341 = arith.select %lt3A_336, %broadcast_in_dim3A_339, %broadcast_in_dim3A_340 : vector<64x2048xi1>, vector<64x2048xf32>
    %reduce_sum3A_342 = arith.constant dense<0.000000e+00> : vector<64xf32>
    %reduce_sum3A_343 = vector.multi_reduction <add>, %select_n3A_341, %reduce_sum3A_342 [1] : vector<64x2048xf32> to vector<64xf32>
    %broadcast_in_dim3A_344 = vector.shape_cast %reduce_sum3A_343 : vector<64xf32> to vector<64x1xf32>
    %lt3A_345 = arith.constant 6.400000e+01 : f32
    %lt3A_346 = vector.broadcast %lt3A_345 : f32 to vector<64x1xf32>
    %lt3A_347 = arith.cmpf olt, %broadcast_in_dim3A_344, %lt3A_346 : vector<64x1xf32>
    %select_n3A_348 = arith.select %lt3A_347, %or3A_334, %select_n3A_331 : vector<64x1xi1>, vector<64x1xi32>
    %or3A_349 = arith.constant 134217728 : i32
    %or3A_350 = vector.broadcast %or3A_349 : i32 to vector<64x1xi32>
    %or3A_351 = arith.ori %select_n3A_348, %or3A_350 : vector<64x1xi32>
    %lt3A_352 = vector.broadcast %or3A_351 : vector<64x1xi32> to vector<64x2048xi32>
    %lt3A_353 = arith.cmpi slt, %bitcast_convert_type3A, %lt3A_352 : vector<64x2048xi32>
    %jit3A_354 = arith.constant 1.000000e+00 : f32
    %jit3A_355 = arith.constant 0.000000e+00 : f32
    %broadcast_in_dim3A_356 = vector.broadcast %jit3A_354 : f32 to vector<64x2048xf32>
    %broadcast_in_dim3A_357 = vector.broadcast %jit3A_355 : f32 to vector<64x2048xf32>
    %select_n3A_358 = arith.select %lt3A_353, %broadcast_in_dim3A_356, %broadcast_in_dim3A_357 : vector<64x2048xi1>, vector<64x2048xf32>
    %reduce_sum3A_359 = arith.constant dense<0.000000e+00> : vector<64xf32>
    %reduce_sum3A_360 = vector.multi_reduction <add>, %select_n3A_358, %reduce_sum3A_359 [1] : vector<64x2048xf32> to vector<64xf32>
    %broadcast_in_dim3A_361 = vector.shape_cast %reduce_sum3A_360 : vector<64xf32> to vector<64x1xf32>
    %lt3A_362 = arith.constant 6.400000e+01 : f32
    %lt3A_363 = vector.broadcast %lt3A_362 : f32 to vector<64x1xf32>
    %lt3A_364 = arith.cmpf olt, %broadcast_in_dim3A_361, %lt3A_363 : vector<64x1xf32>
    %select_n3A_365 = arith.select %lt3A_364, %or3A_351, %select_n3A_348 : vector<64x1xi1>, vector<64x1xi32>
    %or3A_366 = arith.constant 67108864 : i32
    %or3A_367 = vector.broadcast %or3A_366 : i32 to vector<64x1xi32>
    %or3A_368 = arith.ori %select_n3A_365, %or3A_367 : vector<64x1xi32>
    %lt3A_369 = vector.broadcast %or3A_368 : vector<64x1xi32> to vector<64x2048xi32>
    %lt3A_370 = arith.cmpi slt, %bitcast_convert_type3A, %lt3A_369 : vector<64x2048xi32>
    %jit3A_371 = arith.constant 1.000000e+00 : f32
    %jit3A_372 = arith.constant 0.000000e+00 : f32
    %broadcast_in_dim3A_373 = vector.broadcast %jit3A_371 : f32 to vector<64x2048xf32>
    %broadcast_in_dim3A_374 = vector.broadcast %jit3A_372 : f32 to vector<64x2048xf32>
    %select_n3A_375 = arith.select %lt3A_370, %broadcast_in_dim3A_373, %broadcast_in_dim3A_374 : vector<64x2048xi1>, vector<64x2048xf32>
    %reduce_sum3A_376 = arith.constant dense<0.000000e+00> : vector<64xf32>
    %reduce_sum3A_377 = vector.multi_reduction <add>, %select_n3A_375, %reduce_sum3A_376 [1] : vector<64x2048xf32> to vector<64xf32>
    %broadcast_in_dim3A_378 = vector.shape_cast %reduce_sum3A_377 : vector<64xf32> to vector<64x1xf32>
    %lt3A_379 = arith.constant 6.400000e+01 : f32
    %lt3A_380 = vector.broadcast %lt3A_379 : f32 to vector<64x1xf32>
    %lt3A_381 = arith.cmpf olt, %broadcast_in_dim3A_378, %lt3A_380 : vector<64x1xf32>
    %select_n3A_382 = arith.select %lt3A_381, %or3A_368, %select_n3A_365 : vector<64x1xi1>, vector<64x1xi32>
    %or3A_383 = arith.constant 33554432 : i32
    %or3A_384 = vector.broadcast %or3A_383 : i32 to vector<64x1xi32>
    %or3A_385 = arith.ori %select_n3A_382, %or3A_384 : vector<64x1xi32>
    %lt3A_386 = vector.broadcast %or3A_385 : vector<64x1xi32> to vector<64x2048xi32>
    %lt3A_387 = arith.cmpi slt, %bitcast_convert_type3A, %lt3A_386 : vector<64x2048xi32>
    %jit3A_388 = arith.constant 1.000000e+00 : f32
    %jit3A_389 = arith.constant 0.000000e+00 : f32
    %broadcast_in_dim3A_390 = vector.broadcast %jit3A_388 : f32 to vector<64x2048xf32>
    %broadcast_in_dim3A_391 = vector.broadcast %jit3A_389 : f32 to vector<64x2048xf32>
    %select_n3A_392 = arith.select %lt3A_387, %broadcast_in_dim3A_390, %broadcast_in_dim3A_391 : vector<64x2048xi1>, vector<64x2048xf32>
    %reduce_sum3A_393 = arith.constant dense<0.000000e+00> : vector<64xf32>
    %reduce_sum3A_394 = vector.multi_reduction <add>, %select_n3A_392, %reduce_sum3A_393 [1] : vector<64x2048xf32> to vector<64xf32>
    %broadcast_in_dim3A_395 = vector.shape_cast %reduce_sum3A_394 : vector<64xf32> to vector<64x1xf32>
    %lt3A_396 = arith.constant 6.400000e+01 : f32
    %lt3A_397 = vector.broadcast %lt3A_396 : f32 to vector<64x1xf32>
    %lt3A_398 = arith.cmpf olt, %broadcast_in_dim3A_395, %lt3A_397 : vector<64x1xf32>
    %select_n3A_399 = arith.select %lt3A_398, %or3A_385, %select_n3A_382 : vector<64x1xi1>, vector<64x1xi32>
    %or3A_400 = arith.constant 16777216 : i32
    %or3A_401 = vector.broadcast %or3A_400 : i32 to vector<64x1xi32>
    %or3A_402 = arith.ori %select_n3A_399, %or3A_401 : vector<64x1xi32>
    %lt3A_403 = vector.broadcast %or3A_402 : vector<64x1xi32> to vector<64x2048xi32>
    %lt3A_404 = arith.cmpi slt, %bitcast_convert_type3A, %lt3A_403 : vector<64x2048xi32>
    %jit3A_405 = arith.constant 1.000000e+00 : f32
    %jit3A_406 = arith.constant 0.000000e+00 : f32
    %broadcast_in_dim3A_407 = vector.broadcast %jit3A_405 : f32 to vector<64x2048xf32>
    %broadcast_in_dim3A_408 = vector.broadcast %jit3A_406 : f32 to vector<64x2048xf32>
    %select_n3A_409 = arith.select %lt3A_404, %broadcast_in_dim3A_407, %broadcast_in_dim3A_408 : vector<64x2048xi1>, vector<64x2048xf32>
    %reduce_sum3A_410 = arith.constant dense<0.000000e+00> : vector<64xf32>
    %reduce_sum3A_411 = vector.multi_reduction <add>, %select_n3A_409, %reduce_sum3A_410 [1] : vector<64x2048xf32> to vector<64xf32>
    %broadcast_in_dim3A_412 = vector.shape_cast %reduce_sum3A_411 : vector<64xf32> to vector<64x1xf32>
    %lt3A_413 = arith.constant 6.400000e+01 : f32
    %lt3A_414 = vector.broadcast %lt3A_413 : f32 to vector<64x1xf32>
    %lt3A_415 = arith.cmpf olt, %broadcast_in_dim3A_412, %lt3A_414 : vector<64x1xf32>
    %select_n3A_416 = arith.select %lt3A_415, %or3A_402, %select_n3A_399 : vector<64x1xi1>, vector<64x1xi32>
    %or3A_417 = arith.constant 8388608 : i32
    %or3A_418 = vector.broadcast %or3A_417 : i32 to vector<64x1xi32>
    %or3A_419 = arith.ori %select_n3A_416, %or3A_418 : vector<64x1xi32>
    %lt3A_420 = vector.broadcast %or3A_419 : vector<64x1xi32> to vector<64x2048xi32>
    %lt3A_421 = arith.cmpi slt, %bitcast_convert_type3A, %lt3A_420 : vector<64x2048xi32>
    %jit3A_422 = arith.constant 1.000000e+00 : f32
    %jit3A_423 = arith.constant 0.000000e+00 : f32
    %broadcast_in_dim3A_424 = vector.broadcast %jit3A_422 : f32 to vector<64x2048xf32>
    %broadcast_in_dim3A_425 = vector.broadcast %jit3A_423 : f32 to vector<64x2048xf32>
    %select_n3A_426 = arith.select %lt3A_421, %broadcast_in_dim3A_424, %broadcast_in_dim3A_425 : vector<64x2048xi1>, vector<64x2048xf32>
    %reduce_sum3A_427 = arith.constant dense<0.000000e+00> : vector<64xf32>
    %reduce_sum3A_428 = vector.multi_reduction <add>, %select_n3A_426, %reduce_sum3A_427 [1] : vector<64x2048xf32> to vector<64xf32>
    %broadcast_in_dim3A_429 = vector.shape_cast %reduce_sum3A_428 : vector<64xf32> to vector<64x1xf32>
    %lt3A_430 = arith.constant 6.400000e+01 : f32
    %lt3A_431 = vector.broadcast %lt3A_430 : f32 to vector<64x1xf32>
    %lt3A_432 = arith.cmpf olt, %broadcast_in_dim3A_429, %lt3A_431 : vector<64x1xf32>
    %select_n3A_433 = arith.select %lt3A_432, %or3A_419, %select_n3A_416 : vector<64x1xi1>, vector<64x1xi32>
    %or3A_434 = arith.constant 4194304 : i32
    %or3A_435 = vector.broadcast %or3A_434 : i32 to vector<64x1xi32>
    %or3A_436 = arith.ori %select_n3A_433, %or3A_435 : vector<64x1xi32>
    %lt3A_437 = vector.broadcast %or3A_436 : vector<64x1xi32> to vector<64x2048xi32>
    %lt3A_438 = arith.cmpi slt, %bitcast_convert_type3A, %lt3A_437 : vector<64x2048xi32>
    %jit3A_439 = arith.constant 1.000000e+00 : f32
    %jit3A_440 = arith.constant 0.000000e+00 : f32
    %broadcast_in_dim3A_441 = vector.broadcast %jit3A_439 : f32 to vector<64x2048xf32>
    %broadcast_in_dim3A_442 = vector.broadcast %jit3A_440 : f32 to vector<64x2048xf32>
    %select_n3A_443 = arith.select %lt3A_438, %broadcast_in_dim3A_441, %broadcast_in_dim3A_442 : vector<64x2048xi1>, vector<64x2048xf32>
    %reduce_sum3A_444 = arith.constant dense<0.000000e+00> : vector<64xf32>
    %reduce_sum3A_445 = vector.multi_reduction <add>, %select_n3A_443, %reduce_sum3A_444 [1] : vector<64x2048xf32> to vector<64xf32>
    %broadcast_in_dim3A_446 = vector.shape_cast %reduce_sum3A_445 : vector<64xf32> to vector<64x1xf32>
    %lt3A_447 = arith.constant 6.400000e+01 : f32
    %lt3A_448 = vector.broadcast %lt3A_447 : f32 to vector<64x1xf32>
    %lt3A_449 = arith.cmpf olt, %broadcast_in_dim3A_446, %lt3A_448 : vector<64x1xf32>
    %select_n3A_450 = arith.select %lt3A_449, %or3A_436, %select_n3A_433 : vector<64x1xi1>, vector<64x1xi32>
    %or3A_451 = arith.constant 2097152 : i32
    %or3A_452 = vector.broadcast %or3A_451 : i32 to vector<64x1xi32>
    %or3A_453 = arith.ori %select_n3A_450, %or3A_452 : vector<64x1xi32>
    %lt3A_454 = vector.broadcast %or3A_453 : vector<64x1xi32> to vector<64x2048xi32>
    %lt3A_455 = arith.cmpi slt, %bitcast_convert_type3A, %lt3A_454 : vector<64x2048xi32>
    %jit3A_456 = arith.constant 1.000000e+00 : f32
    %jit3A_457 = arith.constant 0.000000e+00 : f32
    %broadcast_in_dim3A_458 = vector.broadcast %jit3A_456 : f32 to vector<64x2048xf32>
    %broadcast_in_dim3A_459 = vector.broadcast %jit3A_457 : f32 to vector<64x2048xf32>
    %select_n3A_460 = arith.select %lt3A_455, %broadcast_in_dim3A_458, %broadcast_in_dim3A_459 : vector<64x2048xi1>, vector<64x2048xf32>
    %reduce_sum3A_461 = arith.constant dense<0.000000e+00> : vector<64xf32>
    %reduce_sum3A_462 = vector.multi_reduction <add>, %select_n3A_460, %reduce_sum3A_461 [1] : vector<64x2048xf32> to vector<64xf32>
    %broadcast_in_dim3A_463 = vector.shape_cast %reduce_sum3A_462 : vector<64xf32> to vector<64x1xf32>
    %lt3A_464 = arith.constant 6.400000e+01 : f32
    %lt3A_465 = vector.broadcast %lt3A_464 : f32 to vector<64x1xf32>
    %lt3A_466 = arith.cmpf olt, %broadcast_in_dim3A_463, %lt3A_465 : vector<64x1xf32>
    %select_n3A_467 = arith.select %lt3A_466, %or3A_453, %select_n3A_450 : vector<64x1xi1>, vector<64x1xi32>
    %or3A_468 = arith.constant 1048576 : i32
    %or3A_469 = vector.broadcast %or3A_468 : i32 to vector<64x1xi32>
    %or3A_470 = arith.ori %select_n3A_467, %or3A_469 : vector<64x1xi32>
    %lt3A_471 = vector.broadcast %or3A_470 : vector<64x1xi32> to vector<64x2048xi32>
    %lt3A_472 = arith.cmpi slt, %bitcast_convert_type3A, %lt3A_471 : vector<64x2048xi32>
    %jit3A_473 = arith.constant 1.000000e+00 : f32
    %jit3A_474 = arith.constant 0.000000e+00 : f32
    %broadcast_in_dim3A_475 = vector.broadcast %jit3A_473 : f32 to vector<64x2048xf32>
    %broadcast_in_dim3A_476 = vector.broadcast %jit3A_474 : f32 to vector<64x2048xf32>
    %select_n3A_477 = arith.select %lt3A_472, %broadcast_in_dim3A_475, %broadcast_in_dim3A_476 : vector<64x2048xi1>, vector<64x2048xf32>
    %reduce_sum3A_478 = arith.constant dense<0.000000e+00> : vector<64xf32>
    %reduce_sum3A_479 = vector.multi_reduction <add>, %select_n3A_477, %reduce_sum3A_478 [1] : vector<64x2048xf32> to vector<64xf32>
    %broadcast_in_dim3A_480 = vector.shape_cast %reduce_sum3A_479 : vector<64xf32> to vector<64x1xf32>
    %lt3A_481 = arith.constant 6.400000e+01 : f32
    %lt3A_482 = vector.broadcast %lt3A_481 : f32 to vector<64x1xf32>
    %lt3A_483 = arith.cmpf olt, %broadcast_in_dim3A_480, %lt3A_482 : vector<64x1xf32>
    %select_n3A_484 = arith.select %lt3A_483, %or3A_470, %select_n3A_467 : vector<64x1xi1>, vector<64x1xi32>
    %or3A_485 = arith.constant 524288 : i32
    %or3A_486 = vector.broadcast %or3A_485 : i32 to vector<64x1xi32>
    %or3A_487 = arith.ori %select_n3A_484, %or3A_486 : vector<64x1xi32>
    %lt3A_488 = vector.broadcast %or3A_487 : vector<64x1xi32> to vector<64x2048xi32>
    %lt3A_489 = arith.cmpi slt, %bitcast_convert_type3A, %lt3A_488 : vector<64x2048xi32>
    %jit3A_490 = arith.constant 1.000000e+00 : f32
    %jit3A_491 = arith.constant 0.000000e+00 : f32
    %broadcast_in_dim3A_492 = vector.broadcast %jit3A_490 : f32 to vector<64x2048xf32>
    %broadcast_in_dim3A_493 = vector.broadcast %jit3A_491 : f32 to vector<64x2048xf32>
    %select_n3A_494 = arith.select %lt3A_489, %broadcast_in_dim3A_492, %broadcast_in_dim3A_493 : vector<64x2048xi1>, vector<64x2048xf32>
    %reduce_sum3A_495 = arith.constant dense<0.000000e+00> : vector<64xf32>
    %reduce_sum3A_496 = vector.multi_reduction <add>, %select_n3A_494, %reduce_sum3A_495 [1] : vector<64x2048xf32> to vector<64xf32>
    %broadcast_in_dim3A_497 = vector.shape_cast %reduce_sum3A_496 : vector<64xf32> to vector<64x1xf32>
    %lt3A_498 = arith.constant 6.400000e+01 : f32
    %lt3A_499 = vector.broadcast %lt3A_498 : f32 to vector<64x1xf32>
    %lt3A_500 = arith.cmpf olt, %broadcast_in_dim3A_497, %lt3A_499 : vector<64x1xf32>
    %select_n3A_501 = arith.select %lt3A_500, %or3A_487, %select_n3A_484 : vector<64x1xi1>, vector<64x1xi32>
    %or3A_502 = arith.constant 262144 : i32
    %or3A_503 = vector.broadcast %or3A_502 : i32 to vector<64x1xi32>
    %or3A_504 = arith.ori %select_n3A_501, %or3A_503 : vector<64x1xi32>
    %lt3A_505 = vector.broadcast %or3A_504 : vector<64x1xi32> to vector<64x2048xi32>
    %lt3A_506 = arith.cmpi slt, %bitcast_convert_type3A, %lt3A_505 : vector<64x2048xi32>
    %jit3A_507 = arith.constant 1.000000e+00 : f32
    %jit3A_508 = arith.constant 0.000000e+00 : f32
    %broadcast_in_dim3A_509 = vector.broadcast %jit3A_507 : f32 to vector<64x2048xf32>
    %broadcast_in_dim3A_510 = vector.broadcast %jit3A_508 : f32 to vector<64x2048xf32>
    %select_n3A_511 = arith.select %lt3A_506, %broadcast_in_dim3A_509, %broadcast_in_dim3A_510 : vector<64x2048xi1>, vector<64x2048xf32>
    %reduce_sum3A_512 = arith.constant dense<0.000000e+00> : vector<64xf32>
    %reduce_sum3A_513 = vector.multi_reduction <add>, %select_n3A_511, %reduce_sum3A_512 [1] : vector<64x2048xf32> to vector<64xf32>
    %broadcast_in_dim3A_514 = vector.shape_cast %reduce_sum3A_513 : vector<64xf32> to vector<64x1xf32>
    %lt3A_515 = arith.constant 6.400000e+01 : f32
    %lt3A_516 = vector.broadcast %lt3A_515 : f32 to vector<64x1xf32>
    %lt3A_517 = arith.cmpf olt, %broadcast_in_dim3A_514, %lt3A_516 : vector<64x1xf32>
    %select_n3A_518 = arith.select %lt3A_517, %or3A_504, %select_n3A_501 : vector<64x1xi1>, vector<64x1xi32>
    %or3A_519 = arith.constant 131072 : i32
    %or3A_520 = vector.broadcast %or3A_519 : i32 to vector<64x1xi32>
    %or3A_521 = arith.ori %select_n3A_518, %or3A_520 : vector<64x1xi32>
    %lt3A_522 = vector.broadcast %or3A_521 : vector<64x1xi32> to vector<64x2048xi32>
    %lt3A_523 = arith.cmpi slt, %bitcast_convert_type3A, %lt3A_522 : vector<64x2048xi32>
    %jit3A_524 = arith.constant 1.000000e+00 : f32
    %jit3A_525 = arith.constant 0.000000e+00 : f32
    %broadcast_in_dim3A_526 = vector.broadcast %jit3A_524 : f32 to vector<64x2048xf32>
    %broadcast_in_dim3A_527 = vector.broadcast %jit3A_525 : f32 to vector<64x2048xf32>
    %select_n3A_528 = arith.select %lt3A_523, %broadcast_in_dim3A_526, %broadcast_in_dim3A_527 : vector<64x2048xi1>, vector<64x2048xf32>
    %reduce_sum3A_529 = arith.constant dense<0.000000e+00> : vector<64xf32>
    %reduce_sum3A_530 = vector.multi_reduction <add>, %select_n3A_528, %reduce_sum3A_529 [1] : vector<64x2048xf32> to vector<64xf32>
    %broadcast_in_dim3A_531 = vector.shape_cast %reduce_sum3A_530 : vector<64xf32> to vector<64x1xf32>
    %lt3A_532 = arith.constant 6.400000e+01 : f32
    %lt3A_533 = vector.broadcast %lt3A_532 : f32 to vector<64x1xf32>
    %lt3A_534 = arith.cmpf olt, %broadcast_in_dim3A_531, %lt3A_533 : vector<64x1xf32>
    %select_n3A_535 = arith.select %lt3A_534, %or3A_521, %select_n3A_518 : vector<64x1xi1>, vector<64x1xi32>
    %or3A_536 = arith.constant 65536 : i32
    %or3A_537 = vector.broadcast %or3A_536 : i32 to vector<64x1xi32>
    %or3A_538 = arith.ori %select_n3A_535, %or3A_537 : vector<64x1xi32>
    %lt3A_539 = vector.broadcast %or3A_538 : vector<64x1xi32> to vector<64x2048xi32>
    %lt3A_540 = arith.cmpi slt, %bitcast_convert_type3A, %lt3A_539 : vector<64x2048xi32>
    %jit3A_541 = arith.constant 1.000000e+00 : f32
    %jit3A_542 = arith.constant 0.000000e+00 : f32
    %broadcast_in_dim3A_543 = vector.broadcast %jit3A_541 : f32 to vector<64x2048xf32>
    %broadcast_in_dim3A_544 = vector.broadcast %jit3A_542 : f32 to vector<64x2048xf32>
    %select_n3A_545 = arith.select %lt3A_540, %broadcast_in_dim3A_543, %broadcast_in_dim3A_544 : vector<64x2048xi1>, vector<64x2048xf32>
    %reduce_sum3A_546 = arith.constant dense<0.000000e+00> : vector<64xf32>
    %reduce_sum3A_547 = vector.multi_reduction <add>, %select_n3A_545, %reduce_sum3A_546 [1] : vector<64x2048xf32> to vector<64xf32>
    %broadcast_in_dim3A_548 = vector.shape_cast %reduce_sum3A_547 : vector<64xf32> to vector<64x1xf32>
    %lt3A_549 = arith.constant 6.400000e+01 : f32
    %lt3A_550 = vector.broadcast %lt3A_549 : f32 to vector<64x1xf32>
    %lt3A_551 = arith.cmpf olt, %broadcast_in_dim3A_548, %lt3A_550 : vector<64x1xf32>
    %select_n3A_552 = arith.select %lt3A_551, %or3A_538, %select_n3A_535 : vector<64x1xi1>, vector<64x1xi32>
    %or3A_553 = arith.constant 32768 : i32
    %or3A_554 = vector.broadcast %or3A_553 : i32 to vector<64x1xi32>
    %or3A_555 = arith.ori %select_n3A_552, %or3A_554 : vector<64x1xi32>
    %lt3A_556 = vector.broadcast %or3A_555 : vector<64x1xi32> to vector<64x2048xi32>
    %lt3A_557 = arith.cmpi slt, %bitcast_convert_type3A, %lt3A_556 : vector<64x2048xi32>
    %jit3A_558 = arith.constant 1.000000e+00 : f32
    %jit3A_559 = arith.constant 0.000000e+00 : f32
    %broadcast_in_dim3A_560 = vector.broadcast %jit3A_558 : f32 to vector<64x2048xf32>
    %broadcast_in_dim3A_561 = vector.broadcast %jit3A_559 : f32 to vector<64x2048xf32>
    %select_n3A_562 = arith.select %lt3A_557, %broadcast_in_dim3A_560, %broadcast_in_dim3A_561 : vector<64x2048xi1>, vector<64x2048xf32>
    %reduce_sum3A_563 = arith.constant dense<0.000000e+00> : vector<64xf32>
    %reduce_sum3A_564 = vector.multi_reduction <add>, %select_n3A_562, %reduce_sum3A_563 [1] : vector<64x2048xf32> to vector<64xf32>
    %broadcast_in_dim3A_565 = vector.shape_cast %reduce_sum3A_564 : vector<64xf32> to vector<64x1xf32>
    %lt3A_566 = arith.constant 6.400000e+01 : f32
    %lt3A_567 = vector.broadcast %lt3A_566 : f32 to vector<64x1xf32>
    %lt3A_568 = arith.cmpf olt, %broadcast_in_dim3A_565, %lt3A_567 : vector<64x1xf32>
    %select_n3A_569 = arith.select %lt3A_568, %or3A_555, %select_n3A_552 : vector<64x1xi1>, vector<64x1xi32>
    %or3A_570 = arith.constant 16384 : i32
    %or3A_571 = vector.broadcast %or3A_570 : i32 to vector<64x1xi32>
    %or3A_572 = arith.ori %select_n3A_569, %or3A_571 : vector<64x1xi32>
    %lt3A_573 = vector.broadcast %or3A_572 : vector<64x1xi32> to vector<64x2048xi32>
    %lt3A_574 = arith.cmpi slt, %bitcast_convert_type3A, %lt3A_573 : vector<64x2048xi32>
    %jit3A_575 = arith.constant 1.000000e+00 : f32
    %jit3A_576 = arith.constant 0.000000e+00 : f32
    %broadcast_in_dim3A_577 = vector.broadcast %jit3A_575 : f32 to vector<64x2048xf32>
    %broadcast_in_dim3A_578 = vector.broadcast %jit3A_576 : f32 to vector<64x2048xf32>
    %select_n3A_579 = arith.select %lt3A_574, %broadcast_in_dim3A_577, %broadcast_in_dim3A_578 : vector<64x2048xi1>, vector<64x2048xf32>
    %reduce_sum3A_580 = arith.constant dense<0.000000e+00> : vector<64xf32>
    %reduce_sum3A_581 = vector.multi_reduction <add>, %select_n3A_579, %reduce_sum3A_580 [1] : vector<64x2048xf32> to vector<64xf32>
    %broadcast_in_dim3A_582 = vector.shape_cast %reduce_sum3A_581 : vector<64xf32> to vector<64x1xf32>
    %lt3A_583 = arith.constant 6.400000e+01 : f32
    %lt3A_584 = vector.broadcast %lt3A_583 : f32 to vector<64x1xf32>
    %lt3A_585 = arith.cmpf olt, %broadcast_in_dim3A_582, %lt3A_584 : vector<64x1xf32>
    %select_n3A_586 = arith.select %lt3A_585, %or3A_572, %select_n3A_569 : vector<64x1xi1>, vector<64x1xi32>
    %or3A_587 = arith.constant 8192 : i32
    %or3A_588 = vector.broadcast %or3A_587 : i32 to vector<64x1xi32>
    %or3A_589 = arith.ori %select_n3A_586, %or3A_588 : vector<64x1xi32>
    %lt3A_590 = vector.broadcast %or3A_589 : vector<64x1xi32> to vector<64x2048xi32>
    %lt3A_591 = arith.cmpi slt, %bitcast_convert_type3A, %lt3A_590 : vector<64x2048xi32>
    %jit3A_592 = arith.constant 1.000000e+00 : f32
    %jit3A_593 = arith.constant 0.000000e+00 : f32
    %broadcast_in_dim3A_594 = vector.broadcast %jit3A_592 : f32 to vector<64x2048xf32>
    %broadcast_in_dim3A_595 = vector.broadcast %jit3A_593 : f32 to vector<64x2048xf32>
    %select_n3A_596 = arith.select %lt3A_591, %broadcast_in_dim3A_594, %broadcast_in_dim3A_595 : vector<64x2048xi1>, vector<64x2048xf32>
    %reduce_sum3A_597 = arith.constant dense<0.000000e+00> : vector<64xf32>
    %reduce_sum3A_598 = vector.multi_reduction <add>, %select_n3A_596, %reduce_sum3A_597 [1] : vector<64x2048xf32> to vector<64xf32>
    %broadcast_in_dim3A_599 = vector.shape_cast %reduce_sum3A_598 : vector<64xf32> to vector<64x1xf32>
    %lt3A_600 = arith.constant 6.400000e+01 : f32
    %lt3A_601 = vector.broadcast %lt3A_600 : f32 to vector<64x1xf32>
    %lt3A_602 = arith.cmpf olt, %broadcast_in_dim3A_599, %lt3A_601 : vector<64x1xf32>
    %select_n3A_603 = arith.select %lt3A_602, %or3A_589, %select_n3A_586 : vector<64x1xi1>, vector<64x1xi32>
    %or3A_604 = arith.constant 4096 : i32
    %or3A_605 = vector.broadcast %or3A_604 : i32 to vector<64x1xi32>
    %or3A_606 = arith.ori %select_n3A_603, %or3A_605 : vector<64x1xi32>
    %lt3A_607 = vector.broadcast %or3A_606 : vector<64x1xi32> to vector<64x2048xi32>
    %lt3A_608 = arith.cmpi slt, %bitcast_convert_type3A, %lt3A_607 : vector<64x2048xi32>
    %jit3A_609 = arith.constant 1.000000e+00 : f32
    %jit3A_610 = arith.constant 0.000000e+00 : f32
    %broadcast_in_dim3A_611 = vector.broadcast %jit3A_609 : f32 to vector<64x2048xf32>
    %broadcast_in_dim3A_612 = vector.broadcast %jit3A_610 : f32 to vector<64x2048xf32>
    %select_n3A_613 = arith.select %lt3A_608, %broadcast_in_dim3A_611, %broadcast_in_dim3A_612 : vector<64x2048xi1>, vector<64x2048xf32>
    %reduce_sum3A_614 = arith.constant dense<0.000000e+00> : vector<64xf32>
    %reduce_sum3A_615 = vector.multi_reduction <add>, %select_n3A_613, %reduce_sum3A_614 [1] : vector<64x2048xf32> to vector<64xf32>
    %broadcast_in_dim3A_616 = vector.shape_cast %reduce_sum3A_615 : vector<64xf32> to vector<64x1xf32>
    %lt3A_617 = arith.constant 6.400000e+01 : f32
    %lt3A_618 = vector.broadcast %lt3A_617 : f32 to vector<64x1xf32>
    %lt3A_619 = arith.cmpf olt, %broadcast_in_dim3A_616, %lt3A_618 : vector<64x1xf32>
    %select_n3A_620 = arith.select %lt3A_619, %or3A_606, %select_n3A_603 : vector<64x1xi1>, vector<64x1xi32>
    %or3A_621 = arith.constant 2048 : i32
    %or3A_622 = vector.broadcast %or3A_621 : i32 to vector<64x1xi32>
    %or3A_623 = arith.ori %select_n3A_620, %or3A_622 : vector<64x1xi32>
    %lt3A_624 = vector.broadcast %or3A_623 : vector<64x1xi32> to vector<64x2048xi32>
    %lt3A_625 = arith.cmpi slt, %bitcast_convert_type3A, %lt3A_624 : vector<64x2048xi32>
    %jit3A_626 = arith.constant 1.000000e+00 : f32
    %jit3A_627 = arith.constant 0.000000e+00 : f32
    %broadcast_in_dim3A_628 = vector.broadcast %jit3A_626 : f32 to vector<64x2048xf32>
    %broadcast_in_dim3A_629 = vector.broadcast %jit3A_627 : f32 to vector<64x2048xf32>
    %select_n3A_630 = arith.select %lt3A_625, %broadcast_in_dim3A_628, %broadcast_in_dim3A_629 : vector<64x2048xi1>, vector<64x2048xf32>
    %reduce_sum3A_631 = arith.constant dense<0.000000e+00> : vector<64xf32>
    %reduce_sum3A_632 = vector.multi_reduction <add>, %select_n3A_630, %reduce_sum3A_631 [1] : vector<64x2048xf32> to vector<64xf32>
    %broadcast_in_dim3A_633 = vector.shape_cast %reduce_sum3A_632 : vector<64xf32> to vector<64x1xf32>
    %lt3A_634 = arith.constant 6.400000e+01 : f32
    %lt3A_635 = vector.broadcast %lt3A_634 : f32 to vector<64x1xf32>
    %lt3A_636 = arith.cmpf olt, %broadcast_in_dim3A_633, %lt3A_635 : vector<64x1xf32>
    %select_n3A_637 = arith.select %lt3A_636, %or3A_623, %select_n3A_620 : vector<64x1xi1>, vector<64x1xi32>
    %or3A_638 = arith.constant 1024 : i32
    %or3A_639 = vector.broadcast %or3A_638 : i32 to vector<64x1xi32>
    %or3A_640 = arith.ori %select_n3A_637, %or3A_639 : vector<64x1xi32>
    %lt3A_641 = vector.broadcast %or3A_640 : vector<64x1xi32> to vector<64x2048xi32>
    %lt3A_642 = arith.cmpi slt, %bitcast_convert_type3A, %lt3A_641 : vector<64x2048xi32>
    %jit3A_643 = arith.constant 1.000000e+00 : f32
    %jit3A_644 = arith.constant 0.000000e+00 : f32
    %broadcast_in_dim3A_645 = vector.broadcast %jit3A_643 : f32 to vector<64x2048xf32>
    %broadcast_in_dim3A_646 = vector.broadcast %jit3A_644 : f32 to vector<64x2048xf32>
    %select_n3A_647 = arith.select %lt3A_642, %broadcast_in_dim3A_645, %broadcast_in_dim3A_646 : vector<64x2048xi1>, vector<64x2048xf32>
    %reduce_sum3A_648 = arith.constant dense<0.000000e+00> : vector<64xf32>
    %reduce_sum3A_649 = vector.multi_reduction <add>, %select_n3A_647, %reduce_sum3A_648 [1] : vector<64x2048xf32> to vector<64xf32>
    %broadcast_in_dim3A_650 = vector.shape_cast %reduce_sum3A_649 : vector<64xf32> to vector<64x1xf32>
    %lt3A_651 = arith.constant 6.400000e+01 : f32
    %lt3A_652 = vector.broadcast %lt3A_651 : f32 to vector<64x1xf32>
    %lt3A_653 = arith.cmpf olt, %broadcast_in_dim3A_650, %lt3A_652 : vector<64x1xf32>
    %select_n3A_654 = arith.select %lt3A_653, %or3A_640, %select_n3A_637 : vector<64x1xi1>, vector<64x1xi32>
    %or3A_655 = arith.constant 512 : i32
    %or3A_656 = vector.broadcast %or3A_655 : i32 to vector<64x1xi32>
    %or3A_657 = arith.ori %select_n3A_654, %or3A_656 : vector<64x1xi32>
    %lt3A_658 = vector.broadcast %or3A_657 : vector<64x1xi32> to vector<64x2048xi32>
    %lt3A_659 = arith.cmpi slt, %bitcast_convert_type3A, %lt3A_658 : vector<64x2048xi32>
    %jit3A_660 = arith.constant 1.000000e+00 : f32
    %jit3A_661 = arith.constant 0.000000e+00 : f32
    %broadcast_in_dim3A_662 = vector.broadcast %jit3A_660 : f32 to vector<64x2048xf32>
    %broadcast_in_dim3A_663 = vector.broadcast %jit3A_661 : f32 to vector<64x2048xf32>
    %select_n3A_664 = arith.select %lt3A_659, %broadcast_in_dim3A_662, %broadcast_in_dim3A_663 : vector<64x2048xi1>, vector<64x2048xf32>
    %reduce_sum3A_665 = arith.constant dense<0.000000e+00> : vector<64xf32>
    %reduce_sum3A_666 = vector.multi_reduction <add>, %select_n3A_664, %reduce_sum3A_665 [1] : vector<64x2048xf32> to vector<64xf32>
    %broadcast_in_dim3A_667 = vector.shape_cast %reduce_sum3A_666 : vector<64xf32> to vector<64x1xf32>
    %lt3A_668 = arith.constant 6.400000e+01 : f32
    %lt3A_669 = vector.broadcast %lt3A_668 : f32 to vector<64x1xf32>
    %lt3A_670 = arith.cmpf olt, %broadcast_in_dim3A_667, %lt3A_669 : vector<64x1xf32>
    %select_n3A_671 = arith.select %lt3A_670, %or3A_657, %select_n3A_654 : vector<64x1xi1>, vector<64x1xi32>
    %or3A_672 = arith.constant 256 : i32
    %or3A_673 = vector.broadcast %or3A_672 : i32 to vector<64x1xi32>
    %or3A_674 = arith.ori %select_n3A_671, %or3A_673 : vector<64x1xi32>
    %lt3A_675 = vector.broadcast %or3A_674 : vector<64x1xi32> to vector<64x2048xi32>
    %lt3A_676 = arith.cmpi slt, %bitcast_convert_type3A, %lt3A_675 : vector<64x2048xi32>
    %jit3A_677 = arith.constant 1.000000e+00 : f32
    %jit3A_678 = arith.constant 0.000000e+00 : f32
    %broadcast_in_dim3A_679 = vector.broadcast %jit3A_677 : f32 to vector<64x2048xf32>
    %broadcast_in_dim3A_680 = vector.broadcast %jit3A_678 : f32 to vector<64x2048xf32>
    %select_n3A_681 = arith.select %lt3A_676, %broadcast_in_dim3A_679, %broadcast_in_dim3A_680 : vector<64x2048xi1>, vector<64x2048xf32>
    %reduce_sum3A_682 = arith.constant dense<0.000000e+00> : vector<64xf32>
    %reduce_sum3A_683 = vector.multi_reduction <add>, %select_n3A_681, %reduce_sum3A_682 [1] : vector<64x2048xf32> to vector<64xf32>
    %broadcast_in_dim3A_684 = vector.shape_cast %reduce_sum3A_683 : vector<64xf32> to vector<64x1xf32>
    %lt3A_685 = arith.constant 6.400000e+01 : f32
    %lt3A_686 = vector.broadcast %lt3A_685 : f32 to vector<64x1xf32>
    %lt3A_687 = arith.cmpf olt, %broadcast_in_dim3A_684, %lt3A_686 : vector<64x1xf32>
    %select_n3A_688 = arith.select %lt3A_687, %or3A_674, %select_n3A_671 : vector<64x1xi1>, vector<64x1xi32>
    %or3A_689 = arith.constant 128 : i32
    %or3A_690 = vector.broadcast %or3A_689 : i32 to vector<64x1xi32>
    %or3A_691 = arith.ori %select_n3A_688, %or3A_690 : vector<64x1xi32>
    %lt3A_692 = vector.broadcast %or3A_691 : vector<64x1xi32> to vector<64x2048xi32>
    %lt3A_693 = arith.cmpi slt, %bitcast_convert_type3A, %lt3A_692 : vector<64x2048xi32>
    %jit3A_694 = arith.constant 1.000000e+00 : f32
    %jit3A_695 = arith.constant 0.000000e+00 : f32
    %broadcast_in_dim3A_696 = vector.broadcast %jit3A_694 : f32 to vector<64x2048xf32>
    %broadcast_in_dim3A_697 = vector.broadcast %jit3A_695 : f32 to vector<64x2048xf32>
    %select_n3A_698 = arith.select %lt3A_693, %broadcast_in_dim3A_696, %broadcast_in_dim3A_697 : vector<64x2048xi1>, vector<64x2048xf32>
    %reduce_sum3A_699 = arith.constant dense<0.000000e+00> : vector<64xf32>
    %reduce_sum3A_700 = vector.multi_reduction <add>, %select_n3A_698, %reduce_sum3A_699 [1] : vector<64x2048xf32> to vector<64xf32>
    %broadcast_in_dim3A_701 = vector.shape_cast %reduce_sum3A_700 : vector<64xf32> to vector<64x1xf32>
    %lt3A_702 = arith.constant 6.400000e+01 : f32
    %lt3A_703 = vector.broadcast %lt3A_702 : f32 to vector<64x1xf32>
    %lt3A_704 = arith.cmpf olt, %broadcast_in_dim3A_701, %lt3A_703 : vector<64x1xf32>
    %select_n3A_705 = arith.select %lt3A_704, %or3A_691, %select_n3A_688 : vector<64x1xi1>, vector<64x1xi32>
    %or3A_706 = arith.constant 64 : i32
    %or3A_707 = vector.broadcast %or3A_706 : i32 to vector<64x1xi32>
    %or3A_708 = arith.ori %select_n3A_705, %or3A_707 : vector<64x1xi32>
    %lt3A_709 = vector.broadcast %or3A_708 : vector<64x1xi32> to vector<64x2048xi32>
    %lt3A_710 = arith.cmpi slt, %bitcast_convert_type3A, %lt3A_709 : vector<64x2048xi32>
    %jit3A_711 = arith.constant 1.000000e+00 : f32
    %jit3A_712 = arith.constant 0.000000e+00 : f32
    %broadcast_in_dim3A_713 = vector.broadcast %jit3A_711 : f32 to vector<64x2048xf32>
    %broadcast_in_dim3A_714 = vector.broadcast %jit3A_712 : f32 to vector<64x2048xf32>
    %select_n3A_715 = arith.select %lt3A_710, %broadcast_in_dim3A_713, %broadcast_in_dim3A_714 : vector<64x2048xi1>, vector<64x2048xf32>
    %reduce_sum3A_716 = arith.constant dense<0.000000e+00> : vector<64xf32>
    %reduce_sum3A_717 = vector.multi_reduction <add>, %select_n3A_715, %reduce_sum3A_716 [1] : vector<64x2048xf32> to vector<64xf32>
    %broadcast_in_dim3A_718 = vector.shape_cast %reduce_sum3A_717 : vector<64xf32> to vector<64x1xf32>
    %lt3A_719 = arith.constant 6.400000e+01 : f32
    %lt3A_720 = vector.broadcast %lt3A_719 : f32 to vector<64x1xf32>
    %lt3A_721 = arith.cmpf olt, %broadcast_in_dim3A_718, %lt3A_720 : vector<64x1xf32>
    %select_n3A_722 = arith.select %lt3A_721, %or3A_708, %select_n3A_705 : vector<64x1xi1>, vector<64x1xi32>
    %or3A_723 = arith.constant 32 : i32
    %or3A_724 = vector.broadcast %or3A_723 : i32 to vector<64x1xi32>
    %or3A_725 = arith.ori %select_n3A_722, %or3A_724 : vector<64x1xi32>
    %lt3A_726 = vector.broadcast %or3A_725 : vector<64x1xi32> to vector<64x2048xi32>
    %lt3A_727 = arith.cmpi slt, %bitcast_convert_type3A, %lt3A_726 : vector<64x2048xi32>
    %jit3A_728 = arith.constant 1.000000e+00 : f32
    %jit3A_729 = arith.constant 0.000000e+00 : f32
    %broadcast_in_dim3A_730 = vector.broadcast %jit3A_728 : f32 to vector<64x2048xf32>
    %broadcast_in_dim3A_731 = vector.broadcast %jit3A_729 : f32 to vector<64x2048xf32>
    %select_n3A_732 = arith.select %lt3A_727, %broadcast_in_dim3A_730, %broadcast_in_dim3A_731 : vector<64x2048xi1>, vector<64x2048xf32>
    %reduce_sum3A_733 = arith.constant dense<0.000000e+00> : vector<64xf32>
    %reduce_sum3A_734 = vector.multi_reduction <add>, %select_n3A_732, %reduce_sum3A_733 [1] : vector<64x2048xf32> to vector<64xf32>
    %broadcast_in_dim3A_735 = vector.shape_cast %reduce_sum3A_734 : vector<64xf32> to vector<64x1xf32>
    %lt3A_736 = arith.constant 6.400000e+01 : f32
    %lt3A_737 = vector.broadcast %lt3A_736 : f32 to vector<64x1xf32>
    %lt3A_738 = arith.cmpf olt, %broadcast_in_dim3A_735, %lt3A_737 : vector<64x1xf32>
    %select_n3A_739 = arith.select %lt3A_738, %or3A_725, %select_n3A_722 : vector<64x1xi1>, vector<64x1xi32>
    %or3A_740 = arith.constant 16 : i32
    %or3A_741 = vector.broadcast %or3A_740 : i32 to vector<64x1xi32>
    %or3A_742 = arith.ori %select_n3A_739, %or3A_741 : vector<64x1xi32>
    %lt3A_743 = vector.broadcast %or3A_742 : vector<64x1xi32> to vector<64x2048xi32>
    %lt3A_744 = arith.cmpi slt, %bitcast_convert_type3A, %lt3A_743 : vector<64x2048xi32>
    %jit3A_745 = arith.constant 1.000000e+00 : f32
    %jit3A_746 = arith.constant 0.000000e+00 : f32
    %broadcast_in_dim3A_747 = vector.broadcast %jit3A_745 : f32 to vector<64x2048xf32>
    %broadcast_in_dim3A_748 = vector.broadcast %jit3A_746 : f32 to vector<64x2048xf32>
    %select_n3A_749 = arith.select %lt3A_744, %broadcast_in_dim3A_747, %broadcast_in_dim3A_748 : vector<64x2048xi1>, vector<64x2048xf32>
    %reduce_sum3A_750 = arith.constant dense<0.000000e+00> : vector<64xf32>
    %reduce_sum3A_751 = vector.multi_reduction <add>, %select_n3A_749, %reduce_sum3A_750 [1] : vector<64x2048xf32> to vector<64xf32>
    %broadcast_in_dim3A_752 = vector.shape_cast %reduce_sum3A_751 : vector<64xf32> to vector<64x1xf32>
    %lt3A_753 = arith.constant 6.400000e+01 : f32
    %lt3A_754 = vector.broadcast %lt3A_753 : f32 to vector<64x1xf32>
    %lt3A_755 = arith.cmpf olt, %broadcast_in_dim3A_752, %lt3A_754 : vector<64x1xf32>
    %select_n3A_756 = arith.select %lt3A_755, %or3A_742, %select_n3A_739 : vector<64x1xi1>, vector<64x1xi32>
    %or3A_757 = arith.constant 8 : i32
    %or3A_758 = vector.broadcast %or3A_757 : i32 to vector<64x1xi32>
    %or3A_759 = arith.ori %select_n3A_756, %or3A_758 : vector<64x1xi32>
    %lt3A_760 = vector.broadcast %or3A_759 : vector<64x1xi32> to vector<64x2048xi32>
    %lt3A_761 = arith.cmpi slt, %bitcast_convert_type3A, %lt3A_760 : vector<64x2048xi32>
    %jit3A_762 = arith.constant 1.000000e+00 : f32
    %jit3A_763 = arith.constant 0.000000e+00 : f32
    %broadcast_in_dim3A_764 = vector.broadcast %jit3A_762 : f32 to vector<64x2048xf32>
    %broadcast_in_dim3A_765 = vector.broadcast %jit3A_763 : f32 to vector<64x2048xf32>
    %select_n3A_766 = arith.select %lt3A_761, %broadcast_in_dim3A_764, %broadcast_in_dim3A_765 : vector<64x2048xi1>, vector<64x2048xf32>
    %reduce_sum3A_767 = arith.constant dense<0.000000e+00> : vector<64xf32>
    %reduce_sum3A_768 = vector.multi_reduction <add>, %select_n3A_766, %reduce_sum3A_767 [1] : vector<64x2048xf32> to vector<64xf32>
    %broadcast_in_dim3A_769 = vector.shape_cast %reduce_sum3A_768 : vector<64xf32> to vector<64x1xf32>
    %lt3A_770 = arith.constant 6.400000e+01 : f32
    %lt3A_771 = vector.broadcast %lt3A_770 : f32 to vector<64x1xf32>
    %lt3A_772 = arith.cmpf olt, %broadcast_in_dim3A_769, %lt3A_771 : vector<64x1xf32>
    %select_n3A_773 = arith.select %lt3A_772, %or3A_759, %select_n3A_756 : vector<64x1xi1>, vector<64x1xi32>
    %or3A_774 = arith.constant 4 : i32
    %or3A_775 = vector.broadcast %or3A_774 : i32 to vector<64x1xi32>
    %or3A_776 = arith.ori %select_n3A_773, %or3A_775 : vector<64x1xi32>
    %lt3A_777 = vector.broadcast %or3A_776 : vector<64x1xi32> to vector<64x2048xi32>
    %lt3A_778 = arith.cmpi slt, %bitcast_convert_type3A, %lt3A_777 : vector<64x2048xi32>
    %jit3A_779 = arith.constant 1.000000e+00 : f32
    %jit3A_780 = arith.constant 0.000000e+00 : f32
    %broadcast_in_dim3A_781 = vector.broadcast %jit3A_779 : f32 to vector<64x2048xf32>
    %broadcast_in_dim3A_782 = vector.broadcast %jit3A_780 : f32 to vector<64x2048xf32>
    %select_n3A_783 = arith.select %lt3A_778, %broadcast_in_dim3A_781, %broadcast_in_dim3A_782 : vector<64x2048xi1>, vector<64x2048xf32>
    %reduce_sum3A_784 = arith.constant dense<0.000000e+00> : vector<64xf32>
    %reduce_sum3A_785 = vector.multi_reduction <add>, %select_n3A_783, %reduce_sum3A_784 [1] : vector<64x2048xf32> to vector<64xf32>
    %broadcast_in_dim3A_786 = vector.shape_cast %reduce_sum3A_785 : vector<64xf32> to vector<64x1xf32>
    %lt3A_787 = arith.constant 6.400000e+01 : f32
    %lt3A_788 = vector.broadcast %lt3A_787 : f32 to vector<64x1xf32>
    %lt3A_789 = arith.cmpf olt, %broadcast_in_dim3A_786, %lt3A_788 : vector<64x1xf32>
    %select_n3A_790 = arith.select %lt3A_789, %or3A_776, %select_n3A_773 : vector<64x1xi1>, vector<64x1xi32>
    %or3A_791 = arith.constant 2 : i32
    %or3A_792 = vector.broadcast %or3A_791 : i32 to vector<64x1xi32>
    %or3A_793 = arith.ori %select_n3A_790, %or3A_792 : vector<64x1xi32>
    %lt3A_794 = vector.broadcast %or3A_793 : vector<64x1xi32> to vector<64x2048xi32>
    %lt3A_795 = arith.cmpi slt, %bitcast_convert_type3A, %lt3A_794 : vector<64x2048xi32>
    %jit3A_796 = arith.constant 1.000000e+00 : f32
    %jit3A_797 = arith.constant 0.000000e+00 : f32
    %broadcast_in_dim3A_798 = vector.broadcast %jit3A_796 : f32 to vector<64x2048xf32>
    %broadcast_in_dim3A_799 = vector.broadcast %jit3A_797 : f32 to vector<64x2048xf32>
    %select_n3A_800 = arith.select %lt3A_795, %broadcast_in_dim3A_798, %broadcast_in_dim3A_799 : vector<64x2048xi1>, vector<64x2048xf32>
    %reduce_sum3A_801 = arith.constant dense<0.000000e+00> : vector<64xf32>
    %reduce_sum3A_802 = vector.multi_reduction <add>, %select_n3A_800, %reduce_sum3A_801 [1] : vector<64x2048xf32> to vector<64xf32>
    %broadcast_in_dim3A_803 = vector.shape_cast %reduce_sum3A_802 : vector<64xf32> to vector<64x1xf32>
    %lt3A_804 = arith.constant 6.400000e+01 : f32
    %lt3A_805 = vector.broadcast %lt3A_804 : f32 to vector<64x1xf32>
    %lt3A_806 = arith.cmpf olt, %broadcast_in_dim3A_803, %lt3A_805 : vector<64x1xf32>
    %select_n3A_807 = arith.select %lt3A_806, %or3A_793, %select_n3A_790 : vector<64x1xi1>, vector<64x1xi32>
    %or3A_808 = arith.constant 1 : i32
    %or3A_809 = vector.broadcast %or3A_808 : i32 to vector<64x1xi32>
    %or3A_810 = arith.ori %select_n3A_807, %or3A_809 : vector<64x1xi32>
    %lt3A_811 = vector.broadcast %or3A_810 : vector<64x1xi32> to vector<64x2048xi32>
    %lt3A_812 = arith.cmpi slt, %bitcast_convert_type3A, %lt3A_811 : vector<64x2048xi32>
    %jit3A_813 = arith.constant 1.000000e+00 : f32
    %jit3A_814 = arith.constant 0.000000e+00 : f32
    %broadcast_in_dim3A_815 = vector.broadcast %jit3A_813 : f32 to vector<64x2048xf32>
    %broadcast_in_dim3A_816 = vector.broadcast %jit3A_814 : f32 to vector<64x2048xf32>
    %select_n3A_817 = arith.select %lt3A_812, %broadcast_in_dim3A_815, %broadcast_in_dim3A_816 : vector<64x2048xi1>, vector<64x2048xf32>
    %reduce_sum3A_818 = arith.constant dense<0.000000e+00> : vector<64xf32>
    %reduce_sum3A_819 = vector.multi_reduction <add>, %select_n3A_817, %reduce_sum3A_818 [1] : vector<64x2048xf32> to vector<64xf32>
    %broadcast_in_dim3A_820 = vector.shape_cast %reduce_sum3A_819 : vector<64xf32> to vector<64x1xf32>
    %lt3A_821 = arith.constant 6.400000e+01 : f32
    %lt3A_822 = vector.broadcast %lt3A_821 : f32 to vector<64x1xf32>
    %lt3A_823 = arith.cmpf olt, %broadcast_in_dim3A_820, %lt3A_822 : vector<64x1xf32>
    %select_n3A_824 = arith.select %lt3A_823, %or3A_810, %select_n3A_807 : vector<64x1xi1>, vector<64x1xi32>
    %lt3A_825 = vector.broadcast %select_n3A_824 : vector<64x1xi32> to vector<64x2048xi32>
    %lt3A_826 = arith.cmpi slt, %bitcast_convert_type3A, %lt3A_825 : vector<64x2048xi32>
    %jit3A_827 = arith.constant 1.000000e+00 : f32
    %jit3A_828 = arith.constant 0.000000e+00 : f32
    %broadcast_in_dim3A_829 = vector.broadcast %jit3A_827 : f32 to vector<64x2048xf32>
    %broadcast_in_dim3A_830 = vector.broadcast %jit3A_828 : f32 to vector<64x2048xf32>
    %select_n3A_831 = arith.select %lt3A_826, %broadcast_in_dim3A_829, %broadcast_in_dim3A_830 : vector<64x2048xi1>, vector<64x2048xf32>
    %reduce_sum3A_832 = arith.constant dense<0.000000e+00> : vector<64xf32>
    %reduce_sum3A_833 = vector.multi_reduction <add>, %select_n3A_831, %reduce_sum3A_832 [1] : vector<64x2048xf32> to vector<64xf32>
    %broadcast_in_dim3A_834 = vector.shape_cast %reduce_sum3A_833 : vector<64xf32> to vector<64x1xf32>
    %eq3A_835 = vector.broadcast %select_n3A_824 : vector<64x1xi32> to vector<64x2048xi32>
    %eq3A_836 = arith.cmpi eq, %bitcast_convert_type3A, %eq3A_835 : vector<64x2048xi32>
    %jit3A_837 = arith.constant 1.000000e+00 : f32
    %jit3A_838 = arith.constant 0.000000e+00 : f32
    %broadcast_in_dim3A_839 = vector.broadcast %jit3A_837 : f32 to vector<64x2048xf32>
    %broadcast_in_dim3A_840 = vector.broadcast %jit3A_838 : f32 to vector<64x2048xf32>
    %select_n3A_841 = arith.select %eq3A_836, %broadcast_in_dim3A_839, %broadcast_in_dim3A_840 : vector<64x2048xi1>, vector<64x2048xf32>
    %broadcast_in_dim3A_842 = arith.constant 0.000000e+00 : f32
    %broadcast_in_dim3A_843 = vector.broadcast %broadcast_in_dim3A_842 : f32 to vector<64x1xf32>
    %slice3A_844 = vector.extract_strided_slice %select_n3A_841 {offsets = [0, 0], sizes = [64, 2047], strides = [1, 1]} : vector<64x2048xf32> to vector<64x2047xf32>
    %concatenate3A_845 = tpu.concatenate %broadcast_in_dim3A_843, %slice3A_844 in 1 : vector<64x1xf32>, vector<64x2047xf32> -> vector<64x2048xf32>
    %add3A_846 = arith.addf %select_n3A_841, %concatenate3A_845 : vector<64x2048xf32>
    %broadcast_in_dim3A_847 = arith.constant 0.000000e+00 : f32
    %broadcast_in_dim3A_848 = vector.broadcast %broadcast_in_dim3A_847 : f32 to vector<64x2xf32>
    %slice3A_849 = vector.extract_strided_slice %add3A_846 {offsets = [0, 0], sizes = [64, 2046], strides = [1, 1]} : vector<64x2048xf32> to vector<64x2046xf32>
    %concatenate3A_850 = tpu.concatenate %broadcast_in_dim3A_848, %slice3A_849 in 1 : vector<64x2xf32>, vector<64x2046xf32> -> vector<64x2048xf32>
    %add3A_851 = arith.addf %add3A_846, %concatenate3A_850 : vector<64x2048xf32>
    %broadcast_in_dim3A_852 = arith.constant 0.000000e+00 : f32
    %broadcast_in_dim3A_853 = vector.broadcast %broadcast_in_dim3A_852 : f32 to vector<64x4xf32>
    %slice3A_854 = vector.extract_strided_slice %add3A_851 {offsets = [0, 0], sizes = [64, 2044], strides = [1, 1]} : vector<64x2048xf32> to vector<64x2044xf32>
    %concatenate3A_855 = tpu.concatenate %broadcast_in_dim3A_853, %slice3A_854 in 1 : vector<64x4xf32>, vector<64x2044xf32> -> vector<64x2048xf32>
    %add3A_856 = arith.addf %add3A_851, %concatenate3A_855 : vector<64x2048xf32>
    %broadcast_in_dim3A_857 = arith.constant 0.000000e+00 : f32
    %broadcast_in_dim3A_858 = vector.broadcast %broadcast_in_dim3A_857 : f32 to vector<64x8xf32>
    %slice3A_859 = vector.extract_strided_slice %add3A_856 {offsets = [0, 0], sizes = [64, 2040], strides = [1, 1]} : vector<64x2048xf32> to vector<64x2040xf32>
    %concatenate3A_860 = tpu.concatenate %broadcast_in_dim3A_858, %slice3A_859 in 1 : vector<64x8xf32>, vector<64x2040xf32> -> vector<64x2048xf32>
    %add3A_861 = arith.addf %add3A_856, %concatenate3A_860 : vector<64x2048xf32>
    %broadcast_in_dim3A_862 = arith.constant 0.000000e+00 : f32
    %broadcast_in_dim3A_863 = vector.broadcast %broadcast_in_dim3A_862 : f32 to vector<64x16xf32>
    %slice3A_864 = vector.extract_strided_slice %add3A_861 {offsets = [0, 0], sizes = [64, 2032], strides = [1, 1]} : vector<64x2048xf32> to vector<64x2032xf32>
    %concatenate3A_865 = tpu.concatenate %broadcast_in_dim3A_863, %slice3A_864 in 1 : vector<64x16xf32>, vector<64x2032xf32> -> vector<64x2048xf32>
    %add3A_866 = arith.addf %add3A_861, %concatenate3A_865 : vector<64x2048xf32>
    %broadcast_in_dim3A_867 = arith.constant 0.000000e+00 : f32
    %broadcast_in_dim3A_868 = vector.broadcast %broadcast_in_dim3A_867 : f32 to vector<64x32xf32>
    %slice3A_869 = vector.extract_strided_slice %add3A_866 {offsets = [0, 0], sizes = [64, 2016], strides = [1, 1]} : vector<64x2048xf32> to vector<64x2016xf32>
    %concatenate3A_870 = tpu.concatenate %broadcast_in_dim3A_868, %slice3A_869 in 1 : vector<64x32xf32>, vector<64x2016xf32> -> vector<64x2048xf32>
    %add3A_871 = arith.addf %add3A_866, %concatenate3A_870 : vector<64x2048xf32>
    %broadcast_in_dim3A_872 = arith.constant 0.000000e+00 : f32
    %broadcast_in_dim3A_873 = vector.broadcast %broadcast_in_dim3A_872 : f32 to vector<64x64xf32>
    %slice3A_874 = vector.extract_strided_slice %add3A_871 {offsets = [0, 0], sizes = [64, 1984], strides = [1, 1]} : vector<64x2048xf32> to vector<64x1984xf32>
    %concatenate3A_875 = tpu.concatenate %broadcast_in_dim3A_873, %slice3A_874 in 1 : vector<64x64xf32>, vector<64x1984xf32> -> vector<64x2048xf32>
    %add3A_876 = arith.addf %add3A_871, %concatenate3A_875 : vector<64x2048xf32>
    %broadcast_in_dim3A_877 = arith.constant 0.000000e+00 : f32
    %broadcast_in_dim3A_878 = vector.broadcast %broadcast_in_dim3A_877 : f32 to vector<64x128xf32>
    %slice3A_879 = vector.extract_strided_slice %add3A_876 {offsets = [0, 0], sizes = [64, 1920], strides = [1, 1]} : vector<64x2048xf32> to vector<64x1920xf32>
    %concatenate3A_880 = tpu.concatenate %broadcast_in_dim3A_878, %slice3A_879 in 1 : vector<64x128xf32>, vector<64x1920xf32> -> vector<64x2048xf32>
    %add3A_881 = arith.addf %add3A_876, %concatenate3A_880 : vector<64x2048xf32>
    %broadcast_in_dim3A_882 = arith.constant 0.000000e+00 : f32
    %broadcast_in_dim3A_883 = vector.broadcast %broadcast_in_dim3A_882 : f32 to vector<64x256xf32>
    %slice3A_884 = vector.extract_strided_slice %add3A_881 {offsets = [0, 0], sizes = [64, 1792], strides = [1, 1]} : vector<64x2048xf32> to vector<64x1792xf32>
    %concatenate3A_885 = tpu.concatenate %broadcast_in_dim3A_883, %slice3A_884 in 1 : vector<64x256xf32>, vector<64x1792xf32> -> vector<64x2048xf32>
    %add3A_886 = arith.addf %add3A_881, %concatenate3A_885 : vector<64x2048xf32>
    %broadcast_in_dim3A_887 = arith.constant 0.000000e+00 : f32
    %broadcast_in_dim3A_888 = vector.broadcast %broadcast_in_dim3A_887 : f32 to vector<64x512xf32>
    %slice3A_889 = vector.extract_strided_slice %add3A_886 {offsets = [0, 0], sizes = [64, 1536], strides = [1, 1]} : vector<64x2048xf32> to vector<64x1536xf32>
    %concatenate3A_890 = tpu.concatenate %broadcast_in_dim3A_888, %slice3A_889 in 1 : vector<64x512xf32>, vector<64x1536xf32> -> vector<64x2048xf32>
    %add3A_891 = arith.addf %add3A_886, %concatenate3A_890 : vector<64x2048xf32>
    %broadcast_in_dim3A_892 = arith.constant 0.000000e+00 : f32
    %broadcast_in_dim3A_893 = vector.broadcast %broadcast_in_dim3A_892 : f32 to vector<64x1024xf32>
    %slice3A_894 = vector.extract_strided_slice %add3A_891 {offsets = [0, 0], sizes = [64, 1024], strides = [1, 1]} : vector<64x2048xf32> to vector<64x1024xf32>
    %concatenate3A_895 = tpu.concatenate %broadcast_in_dim3A_893, %slice3A_894 in 1 : vector<64x1024xf32>, vector<64x1024xf32> -> vector<64x2048xf32>
    %add3A_896 = arith.addf %add3A_891, %concatenate3A_895 : vector<64x2048xf32>
    %sub3A_897 = arith.subf %add3A_896, %select_n3A_841 : vector<64x2048xf32>
    %sub3A_898 = arith.constant 6.400000e+01 : f32
    %sub3A_899 = vector.broadcast %sub3A_898 : f32 to vector<64x1xf32>
    %sub3A_900 = arith.subf %sub3A_899, %broadcast_in_dim3A_834 : vector<64x1xf32>
    %lt3A_901 = vector.broadcast %sub3A_900 : vector<64x1xf32> to vector<64x2048xf32>
    %lt3A_902 = arith.cmpf olt, %sub3A_897, %lt3A_901 : vector<64x2048xf32>
    %jit3A_903 = arith.constant 1.000000e+00 : f32
    %jit3A_904 = arith.constant 0.000000e+00 : f32
    %broadcast_in_dim3A_905 = vector.broadcast %jit3A_903 : f32 to vector<64x2048xf32>
    %broadcast_in_dim3A_906 = vector.broadcast %jit3A_904 : f32 to vector<64x2048xf32>
    %select_n3A_907 = arith.select %lt3A_902, %broadcast_in_dim3A_905, %broadcast_in_dim3A_906 : vector<64x2048xi1>, vector<64x2048xf32>
    %mul3A_908 = arith.mulf %select_n3A_841, %select_n3A_907 : vector<64x2048xf32>
    %add3A_909 = arith.addf %select_n3A_831, %mul3A_908 : vector<64x2048xf32>
    %swap3A_910 = arith.constant 0 : index
    %swap3A_911 = arith.constant 0 : index
    %swap3A_912 = arith.constant 0 : index
    %swap3A_913 = vector.load %arg5[%swap3A_910, %swap3A_911, %swap3A_912] : memref<1x64x2048xf32, #tpu.memory_space<vmem>>, vector<1x64x2048xf32>
    %swap3A_914 = vector.shape_cast %swap3A_913 : vector<1x64x2048xf32> to vector<64x2048xf32>
    %swap3A_915 = vector.shape_cast %add3A_909 : vector<64x2048xf32> to vector<1x64x2048xf32>
    tpu.vector_store %arg5[%swap3A_910, %swap3A_911, %swap3A_912], %swap3A_915 {strides = array<i32>} : memref<1x64x2048xf32, #tpu.memory_space<vmem>>, vector<1x64x2048xf32>,
    %broadcast_in_dim3A_916 = arith.constant 0.000000e+00 : f32
    %broadcast_in_dim3A_917 = vector.broadcast %broadcast_in_dim3A_916 : f32 to vector<64x2048xf32>
    %broadcast_in_dim3A_918 = arith.constant 0.000000e+00 : f32
    %broadcast_in_dim3A_919 = vector.broadcast %broadcast_in_dim3A_918 : f32 to vector<1x2048xf32>
    %reduce_min3A = arith.constant dense<0x7F800000> : vector<2048xf32>
    %reduce_min3A_920 = vector.multi_reduction <minimumf>, %sub3A_293, %reduce_min3A [0] : vector<64x2048xf32> to vector<2048xf32>
    %broadcast_in_dim3A_921 = vector.shape_cast %reduce_min3A_920 : vector<2048xf32> to vector<1x2048xf32>
    %eq3A_922 = vector.broadcast %broadcast_in_dim3A_921 : vector<1x2048xf32> to vector<64x2048xf32>
    %eq3A_923 = arith.cmpf oeq, %sub3A_293, %eq3A_922 : vector<64x2048xf32>
    %jit3A_924 = arith.constant 1.000000e+00 : f32
    %jit3A_925 = arith.constant 0.000000e+00 : f32
    %broadcast_in_dim3A_926 = vector.broadcast %jit3A_924 : f32 to vector<64x2048xf32>
    %broadcast_in_dim3A_927 = vector.broadcast %jit3A_925 : f32 to vector<64x2048xf32>
    %select_n3A_928 = arith.select %eq3A_923, %broadcast_in_dim3A_926, %broadcast_in_dim3A_927 : vector<64x2048xi1>, vector<64x2048xf32>
    %broadcast_in_dim3A_929 = arith.constant 0.000000e+00 : f32
    %broadcast_in_dim3A_930 = vector.broadcast %broadcast_in_dim3A_929 : f32 to vector<1x2048xf32>
    %slice3A_931 = vector.extract_strided_slice %select_n3A_928 {offsets = [0, 0], sizes = [63, 2048], strides = [1, 1]} : vector<64x2048xf32> to vector<63x2048xf32>
    %concatenate3A_932 = tpu.concatenate %broadcast_in_dim3A_930, %slice3A_931 in 0 : vector<1x2048xf32>, vector<63x2048xf32> -> vector<64x2048xf32>
    %add3A_933 = arith.addf %select_n3A_928, %concatenate3A_932 : vector<64x2048xf32>
    %broadcast_in_dim3A_934 = arith.constant 0.000000e+00 : f32
    %broadcast_in_dim3A_935 = vector.broadcast %broadcast_in_dim3A_934 : f32 to vector<2x2048xf32>
    %slice3A_936 = vector.extract_strided_slice %add3A_933 {offsets = [0, 0], sizes = [62, 2048], strides = [1, 1]} : vector<64x2048xf32> to vector<62x2048xf32>
    %concatenate3A_937 = tpu.concatenate %broadcast_in_dim3A_935, %slice3A_936 in 0 : vector<2x2048xf32>, vector<62x2048xf32> -> vector<64x2048xf32>
    %add3A_938 = arith.addf %add3A_933, %concatenate3A_937 : vector<64x2048xf32>
    %broadcast_in_dim3A_939 = arith.constant 0.000000e+00 : f32
    %broadcast_in_dim3A_940 = vector.broadcast %broadcast_in_dim3A_939 : f32 to vector<4x2048xf32>
    %slice3A_941 = vector.extract_strided_slice %add3A_938 {offsets = [0, 0], sizes = [60, 2048], strides = [1, 1]} : vector<64x2048xf32> to vector<60x2048xf32>
    %concatenate3A_942 = tpu.concatenate %broadcast_in_dim3A_940, %slice3A_941 in 0 : vector<4x2048xf32>, vector<60x2048xf32> -> vector<64x2048xf32>
    %add3A_943 = arith.addf %add3A_938, %concatenate3A_942 : vector<64x2048xf32>
    %broadcast_in_dim3A_944 = arith.constant 0.000000e+00 : f32
    %broadcast_in_dim3A_945 = vector.broadcast %broadcast_in_dim3A_944 : f32 to vector<8x2048xf32>
    %slice3A_946 = vector.extract_strided_slice %add3A_943 {offsets = [0, 0], sizes = [56, 2048], strides = [1, 1]} : vector<64x2048xf32> to vector<56x2048xf32>
    %concatenate3A_947 = tpu.concatenate %broadcast_in_dim3A_945, %slice3A_946 in 0 : vector<8x2048xf32>, vector<56x2048xf32> -> vector<64x2048xf32>
    %add3A_948 = arith.addf %add3A_943, %concatenate3A_947 : vector<64x2048xf32>
    %broadcast_in_dim3A_949 = arith.constant 0.000000e+00 : f32
    %broadcast_in_dim3A_950 = vector.broadcast %broadcast_in_dim3A_949 : f32 to vector<16x2048xf32>
    %slice3A_951 = vector.extract_strided_slice %add3A_948 {offsets = [0, 0], sizes = [48, 2048], strides = [1, 1]} : vector<64x2048xf32> to vector<48x2048xf32>
    %concatenate3A_952 = tpu.concatenate %broadcast_in_dim3A_950, %slice3A_951 in 0 : vector<16x2048xf32>, vector<48x2048xf32> -> vector<64x2048xf32>
    %add3A_953 = arith.addf %add3A_948, %concatenate3A_952 : vector<64x2048xf32>
    %broadcast_in_dim3A_954 = arith.constant 0.000000e+00 : f32
    %broadcast_in_dim3A_955 = vector.broadcast %broadcast_in_dim3A_954 : f32 to vector<32x2048xf32>
    %slice3A_956 = vector.extract_strided_slice %add3A_953 {offsets = [0, 0], sizes = [32, 2048], strides = [1, 1]} : vector<64x2048xf32> to vector<32x2048xf32>
    %concatenate3A_957 = tpu.concatenate %broadcast_in_dim3A_955, %slice3A_956 in 0 : vector<32x2048xf32>, vector<32x2048xf32> -> vector<64x2048xf32>
    %add3A_958 = arith.addf %add3A_953, %concatenate3A_957 : vector<64x2048xf32>
    %sub3A_959 = arith.subf %add3A_958, %select_n3A_928 : vector<64x2048xf32>
    %gt3A = arith.constant 0.000000e+00 : f32
    %gt3A_960 = vector.broadcast %gt3A : f32 to vector<64x2048xf32>
    %gt3A_961 = arith.cmpf ogt, %select_n3A_928, %gt3A_960 : vector<64x2048xf32>
    %eq3A_962 = arith.constant 0.000000e+00 : f32
    %eq3A_963 = vector.broadcast %eq3A_962 : f32 to vector<64x2048xf32>
    %eq3A_964 = arith.cmpf oeq, %sub3A_959, %eq3A_963 : vector<64x2048xf32>
    %and3A_965 = arith.andi %gt3A_961, %eq3A_964 : vector<64x2048xi1>
    %max3A_966 = arith.constant 1.000000e-10 : f32
    %max3A_967 = vector.broadcast %max3A_966 : f32 to vector<1x2048xf32>
    %max3A_968 = arith.maximumf %broadcast_in_dim3A_921, %max3A_967 : vector<1x2048xf32>
    %div3A = arith.constant 1.000000e+00 : f32
    %div3A_969 = vector.broadcast %div3A : f32 to vector<1x2048xf32>
    %div3A_970 = arith.divf %div3A_969, %max3A_968 : vector<1x2048xf32>
    %jit3A_971 = arith.constant 0.000000e+00 : f32
    %broadcast_in_dim3A_972 = vector.shape_cast %div3A_970 : vector<1x2048xf32> to vector<1x2048xf32>
    %broadcast_in_dim3A_973 = vector.broadcast %broadcast_in_dim3A_972 : vector<1x2048xf32> to vector<64x2048xf32>
    %broadcast_in_dim3A_974 = vector.broadcast %jit3A_971 : f32 to vector<64x2048xf32>
    %select_n3A_975 = arith.select %and3A_965, %broadcast_in_dim3A_973, %broadcast_in_dim3A_974 : vector<64x2048xi1>, vector<64x2048xf32>
    %add3A_976 = arith.addf %broadcast_in_dim3A_917, %select_n3A_975 : vector<64x2048xf32>
    %add3A_977 = arith.addf %broadcast_in_dim3A_919, %div3A_970 : vector<1x2048xf32>
    %jit3A_978 = arith.constant 0x7F800000 : f32
    %broadcast_in_dim3A_979 = vector.broadcast %jit3A_978 : f32 to vector<64x2048xf32>
    %select_n3A_980 = arith.select %and3A_965, %broadcast_in_dim3A_979, %sub3A_293 : vector<64x2048xi1>, vector<64x2048xf32>
    %reduce_min3A_981 = arith.constant dense<0x7F800000> : vector<2048xf32>
    %reduce_min3A_982 = vector.multi_reduction <minimumf>, %select_n3A_980, %reduce_min3A_981 [0] : vector<64x2048xf32> to vector<2048xf32>
    %broadcast_in_dim3A_983 = vector.shape_cast %reduce_min3A_982 : vector<2048xf32> to vector<1x2048xf32>
    %eq3A_984 = vector.broadcast %broadcast_in_dim3A_983 : vector<1x2048xf32> to vector<64x2048xf32>
    %eq3A_985 = arith.cmpf oeq, %select_n3A_980, %eq3A_984 : vector<64x2048xf32>
    %jit3A_986 = arith.constant 1.000000e+00 : f32
    %jit3A_987 = arith.constant 0.000000e+00 : f32
    %broadcast_in_dim3A_988 = vector.broadcast %jit3A_986 : f32 to vector<64x2048xf32>
    %broadcast_in_dim3A_989 = vector.broadcast %jit3A_987 : f32 to vector<64x2048xf32>
    %select_n3A_990 = arith.select %eq3A_985, %broadcast_in_dim3A_988, %broadcast_in_dim3A_989 : vector<64x2048xi1>, vector<64x2048xf32>
    %broadcast_in_dim3A_991 = arith.constant 0.000000e+00 : f32
    %broadcast_in_dim3A_992 = vector.broadcast %broadcast_in_dim3A_991 : f32 to vector<1x2048xf32>
    %slice3A_993 = vector.extract_strided_slice %select_n3A_990 {offsets = [0, 0], sizes = [63, 2048], strides = [1, 1]} : vector<64x2048xf32> to vector<63x2048xf32>
    %concatenate3A_994 = tpu.concatenate %broadcast_in_dim3A_992, %slice3A_993 in 0 : vector<1x2048xf32>, vector<63x2048xf32> -> vector<64x2048xf32>
    %add3A_995 = arith.addf %select_n3A_990, %concatenate3A_994 : vector<64x2048xf32>
    %broadcast_in_dim3A_996 = arith.constant 0.000000e+00 : f32
    %broadcast_in_dim3A_997 = vector.broadcast %broadcast_in_dim3A_996 : f32 to vector<2x2048xf32>
    %slice3A_998 = vector.extract_strided_slice %add3A_995 {offsets = [0, 0], sizes = [62, 2048], strides = [1, 1]} : vector<64x2048xf32> to vector<62x2048xf32>
    %concatenate3A_999 = tpu.concatenate %broadcast_in_dim3A_997, %slice3A_998 in 0 : vector<2x2048xf32>, vector<62x2048xf32> -> vector<64x2048xf32>
    %add3A_1000 = arith.addf %add3A_995, %concatenate3A_999 : vector<64x2048xf32>
    %broadcast_in_dim3A_1001 = arith.constant 0.000000e+00 : f32
    %broadcast_in_dim3A_1002 = vector.broadcast %broadcast_in_dim3A_1001 : f32 to vector<4x2048xf32>
    %slice3A_1003 = vector.extract_strided_slice %add3A_1000 {offsets = [0, 0], sizes = [60, 2048], strides = [1, 1]} : vector<64x2048xf32> to vector<60x2048xf32>
    %concatenate3A_1004 = tpu.concatenate %broadcast_in_dim3A_1002, %slice3A_1003 in 0 : vector<4x2048xf32>, vector<60x2048xf32> -> vector<64x2048xf32>
    %add3A_1005 = arith.addf %add3A_1000, %concatenate3A_1004 : vector<64x2048xf32>
    %broadcast_in_dim3A_1006 = arith.constant 0.000000e+00 : f32
    %broadcast_in_dim3A_1007 = vector.broadcast %broadcast_in_dim3A_1006 : f32 to vector<8x2048xf32>
    %slice3A_1008 = vector.extract_strided_slice %add3A_1005 {offsets = [0, 0], sizes = [56, 2048], strides = [1, 1]} : vector<64x2048xf32> to vector<56x2048xf32>
    %concatenate3A_1009 = tpu.concatenate %broadcast_in_dim3A_1007, %slice3A_1008 in 0 : vector<8x2048xf32>, vector<56x2048xf32> -> vector<64x2048xf32>
    %add3A_1010 = arith.addf %add3A_1005, %concatenate3A_1009 : vector<64x2048xf32>
    %broadcast_in_dim3A_1011 = arith.constant 0.000000e+00 : f32
    %broadcast_in_dim3A_1012 = vector.broadcast %broadcast_in_dim3A_1011 : f32 to vector<16x2048xf32>
    %slice3A_1013 = vector.extract_strided_slice %add3A_1010 {offsets = [0, 0], sizes = [48, 2048], strides = [1, 1]} : vector<64x2048xf32> to vector<48x2048xf32>
    %concatenate3A_1014 = tpu.concatenate %broadcast_in_dim3A_1012, %slice3A_1013 in 0 : vector<16x2048xf32>, vector<48x2048xf32> -> vector<64x2048xf32>
    %add3A_1015 = arith.addf %add3A_1010, %concatenate3A_1014 : vector<64x2048xf32>
    %broadcast_in_dim3A_1016 = arith.constant 0.000000e+00 : f32
    %broadcast_in_dim3A_1017 = vector.broadcast %broadcast_in_dim3A_1016 : f32 to vector<32x2048xf32>
    %slice3A_1018 = vector.extract_strided_slice %add3A_1015 {offsets = [0, 0], sizes = [32, 2048], strides = [1, 1]} : vector<64x2048xf32> to vector<32x2048xf32>
    %concatenate3A_1019 = tpu.concatenate %broadcast_in_dim3A_1017, %slice3A_1018 in 0 : vector<32x2048xf32>, vector<32x2048xf32> -> vector<64x2048xf32>
    %add3A_1020 = arith.addf %add3A_1015, %concatenate3A_1019 : vector<64x2048xf32>
    %sub3A_1021 = arith.subf %add3A_1020, %select_n3A_990 : vector<64x2048xf32>
    %gt3A_1022 = arith.constant 0.000000e+00 : f32
    %gt3A_1023 = vector.broadcast %gt3A_1022 : f32 to vector<64x2048xf32>
    %gt3A_1024 = arith.cmpf ogt, %select_n3A_990, %gt3A_1023 : vector<64x2048xf32>
    %eq3A_1025 = arith.constant 0.000000e+00 : f32
    %eq3A_1026 = vector.broadcast %eq3A_1025 : f32 to vector<64x2048xf32>
    %eq3A_1027 = arith.cmpf oeq, %sub3A_1021, %eq3A_1026 : vector<64x2048xf32>
    %and3A_1028 = arith.andi %gt3A_1024, %eq3A_1027 : vector<64x2048xi1>
    %max3A_1029 = arith.constant 1.000000e-10 : f32
    %max3A_1030 = vector.broadcast %max3A_1029 : f32 to vector<1x2048xf32>
    %max3A_1031 = arith.maximumf %broadcast_in_dim3A_983, %max3A_1030 : vector<1x2048xf32>
    %div3A_1032 = arith.constant 1.000000e+00 : f32
    %div3A_1033 = vector.broadcast %div3A_1032 : f32 to vector<1x2048xf32>
    %div3A_1034 = arith.divf %div3A_1033, %max3A_1031 : vector<1x2048xf32>
    %jit3A_1035 = arith.constant 0.000000e+00 : f32
    %broadcast_in_dim3A_1036 = vector.shape_cast %div3A_1034 : vector<1x2048xf32> to vector<1x2048xf32>
    %broadcast_in_dim3A_1037 = vector.broadcast %broadcast_in_dim3A_1036 : vector<1x2048xf32> to vector<64x2048xf32>
    %broadcast_in_dim3A_1038 = vector.broadcast %jit3A_1035 : f32 to vector<64x2048xf32>
    %select_n3A_1039 = arith.select %and3A_1028, %broadcast_in_dim3A_1037, %broadcast_in_dim3A_1038 : vector<64x2048xi1>, vector<64x2048xf32>
    %add3A_1040 = arith.addf %add3A_976, %select_n3A_1039 : vector<64x2048xf32>
    %add3A_1041 = arith.addf %add3A_977, %div3A_1034 : vector<1x2048xf32>
    %jit3A_1042 = arith.constant 0x7F800000 : f32
    %broadcast_in_dim3A_1043 = vector.broadcast %jit3A_1042 : f32 to vector<64x2048xf32>
    %select_n3A_1044 = arith.select %and3A_1028, %broadcast_in_dim3A_1043, %select_n3A_980 : vector<64x2048xi1>, vector<64x2048xf32>
    %reduce_min3A_1045 = arith.constant dense<0x7F800000> : vector<2048xf32>
    %reduce_min3A_1046 = vector.multi_reduction <minimumf>, %select_n3A_1044, %reduce_min3A_1045 [0] : vector<64x2048xf32> to vector<2048xf32>
    %broadcast_in_dim3A_1047 = vector.shape_cast %reduce_min3A_1046 : vector<2048xf32> to vector<1x2048xf32>
    %eq3A_1048 = vector.broadcast %broadcast_in_dim3A_1047 : vector<1x2048xf32> to vector<64x2048xf32>
    %eq3A_1049 = arith.cmpf oeq, %select_n3A_1044, %eq3A_1048 : vector<64x2048xf32>
    %jit3A_1050 = arith.constant 1.000000e+00 : f32
    %jit3A_1051 = arith.constant 0.000000e+00 : f32
    %broadcast_in_dim3A_1052 = vector.broadcast %jit3A_1050 : f32 to vector<64x2048xf32>
    %broadcast_in_dim3A_1053 = vector.broadcast %jit3A_1051 : f32 to vector<64x2048xf32>
    %select_n3A_1054 = arith.select %eq3A_1049, %broadcast_in_dim3A_1052, %broadcast_in_dim3A_1053 : vector<64x2048xi1>, vector<64x2048xf32>
    %broadcast_in_dim3A_1055 = arith.constant 0.000000e+00 : f32
    %broadcast_in_dim3A_1056 = vector.broadcast %broadcast_in_dim3A_1055 : f32 to vector<1x2048xf32>
    %slice3A_1057 = vector.extract_strided_slice %select_n3A_1054 {offsets = [0, 0], sizes = [63, 2048], strides = [1, 1]} : vector<64x2048xf32> to vector<63x2048xf32>
    %concatenate3A_1058 = tpu.concatenate %broadcast_in_dim3A_1056, %slice3A_1057 in 0 : vector<1x2048xf32>, vector<63x2048xf32> -> vector<64x2048xf32>
    %add3A_1059 = arith.addf %select_n3A_1054, %concatenate3A_1058 : vector<64x2048xf32>
    %broadcast_in_dim3A_1060 = arith.constant 0.000000e+00 : f32
    %broadcast_in_dim3A_1061 = vector.broadcast %broadcast_in_dim3A_1060 : f32 to vector<2x2048xf32>
    %slice3A_1062 = vector.extract_strided_slice %add3A_1059 {offsets = [0, 0], sizes = [62, 2048], strides = [1, 1]} : vector<64x2048xf32> to vector<62x2048xf32>
    %concatenate3A_1063 = tpu.concatenate %broadcast_in_dim3A_1061, %slice3A_1062 in 0 : vector<2x2048xf32>, vector<62x2048xf32> -> vector<64x2048xf32>
    %add3A_1064 = arith.addf %add3A_1059, %concatenate3A_1063 : vector<64x2048xf32>
    %broadcast_in_dim3A_1065 = arith.constant 0.000000e+00 : f32
    %broadcast_in_dim3A_1066 = vector.broadcast %broadcast_in_dim3A_1065 : f32 to vector<4x2048xf32>
    %slice3A_1067 = vector.extract_strided_slice %add3A_1064 {offsets = [0, 0], sizes = [60, 2048], strides = [1, 1]} : vector<64x2048xf32> to vector<60x2048xf32>
    %concatenate3A_1068 = tpu.concatenate %broadcast_in_dim3A_1066, %slice3A_1067 in 0 : vector<4x2048xf32>, vector<60x2048xf32> -> vector<64x2048xf32>
    %add3A_1069 = arith.addf %add3A_1064, %concatenate3A_1068 : vector<64x2048xf32>
    %broadcast_in_dim3A_1070 = arith.constant 0.000000e+00 : f32
    %broadcast_in_dim3A_1071 = vector.broadcast %broadcast_in_dim3A_1070 : f32 to vector<8x2048xf32>
    %slice3A_1072 = vector.extract_strided_slice %add3A_1069 {offsets = [0, 0], sizes = [56, 2048], strides = [1, 1]} : vector<64x2048xf32> to vector<56x2048xf32>
    %concatenate3A_1073 = tpu.concatenate %broadcast_in_dim3A_1071, %slice3A_1072 in 0 : vector<8x2048xf32>, vector<56x2048xf32> -> vector<64x2048xf32>
    %add3A_1074 = arith.addf %add3A_1069, %concatenate3A_1073 : vector<64x2048xf32>
    %broadcast_in_dim3A_1075 = arith.constant 0.000000e+00 : f32
    %broadcast_in_dim3A_1076 = vector.broadcast %broadcast_in_dim3A_1075 : f32 to vector<16x2048xf32>
    %slice3A_1077 = vector.extract_strided_slice %add3A_1074 {offsets = [0, 0], sizes = [48, 2048], strides = [1, 1]} : vector<64x2048xf32> to vector<48x2048xf32>
    %concatenate3A_1078 = tpu.concatenate %broadcast_in_dim3A_1076, %slice3A_1077 in 0 : vector<16x2048xf32>, vector<48x2048xf32> -> vector<64x2048xf32>
    %add3A_1079 = arith.addf %add3A_1074, %concatenate3A_1078 : vector<64x2048xf32>
    %broadcast_in_dim3A_1080 = arith.constant 0.000000e+00 : f32
    %broadcast_in_dim3A_1081 = vector.broadcast %broadcast_in_dim3A_1080 : f32 to vector<32x2048xf32>
    %slice3A_1082 = vector.extract_strided_slice %add3A_1079 {offsets = [0, 0], sizes = [32, 2048], strides = [1, 1]} : vector<64x2048xf32> to vector<32x2048xf32>
    %concatenate3A_1083 = tpu.concatenate %broadcast_in_dim3A_1081, %slice3A_1082 in 0 : vector<32x2048xf32>, vector<32x2048xf32> -> vector<64x2048xf32>
    %add3A_1084 = arith.addf %add3A_1079, %concatenate3A_1083 : vector<64x2048xf32>
    %sub3A_1085 = arith.subf %add3A_1084, %select_n3A_1054 : vector<64x2048xf32>
    %gt3A_1086 = arith.constant 0.000000e+00 : f32
    %gt3A_1087 = vector.broadcast %gt3A_1086 : f32 to vector<64x2048xf32>
    %gt3A_1088 = arith.cmpf ogt, %select_n3A_1054, %gt3A_1087 : vector<64x2048xf32>
    %eq3A_1089 = arith.constant 0.000000e+00 : f32
    %eq3A_1090 = vector.broadcast %eq3A_1089 : f32 to vector<64x2048xf32>
    %eq3A_1091 = arith.cmpf oeq, %sub3A_1085, %eq3A_1090 : vector<64x2048xf32>
    %and3A_1092 = arith.andi %gt3A_1088, %eq3A_1091 : vector<64x2048xi1>
    %max3A_1093 = arith.constant 1.000000e-10 : f32
    %max3A_1094 = vector.broadcast %max3A_1093 : f32 to vector<1x2048xf32>
    %max3A_1095 = arith.maximumf %broadcast_in_dim3A_1047, %max3A_1094 : vector<1x2048xf32>
    %div3A_1096 = arith.constant 1.000000e+00 : f32
    %div3A_1097 = vector.broadcast %div3A_1096 : f32 to vector<1x2048xf32>
    %div3A_1098 = arith.divf %div3A_1097, %max3A_1095 : vector<1x2048xf32>
    %jit3A_1099 = arith.constant 0.000000e+00 : f32
    %broadcast_in_dim3A_1100 = vector.shape_cast %div3A_1098 : vector<1x2048xf32> to vector<1x2048xf32>
    %broadcast_in_dim3A_1101 = vector.broadcast %broadcast_in_dim3A_1100 : vector<1x2048xf32> to vector<64x2048xf32>
    %broadcast_in_dim3A_1102 = vector.broadcast %jit3A_1099 : f32 to vector<64x2048xf32>
    %select_n3A_1103 = arith.select %and3A_1092, %broadcast_in_dim3A_1101, %broadcast_in_dim3A_1102 : vector<64x2048xi1>, vector<64x2048xf32>
    %add3A_1104 = arith.addf %add3A_1040, %select_n3A_1103 : vector<64x2048xf32>
    %add3A_1105 = arith.addf %add3A_1041, %div3A_1098 : vector<1x2048xf32>
    %div3A_1106 = vector.broadcast %add3A_1105 : vector<1x2048xf32> to vector<64x2048xf32>
    %div3A_1107 = arith.divf %add3A_1104, %div3A_1106 : vector<64x2048xf32>
    %swap3A_1108 = arith.constant 0 : index
    %swap3A_1109 = arith.constant 0 : index
    %swap3A_1110 = arith.constant 0 : index
    %swap3A_1111 = vector.load %arg6[%swap3A_1108, %swap3A_1109, %swap3A_1110] : memref<1x64x2048xf32, #tpu.memory_space<vmem>>, vector<1x64x2048xf32>
    %swap3A_1112 = vector.shape_cast %swap3A_1111 : vector<1x64x2048xf32> to vector<64x2048xf32>
    %swap3A_1113 = vector.shape_cast %div3A_1107 : vector<64x2048xf32> to vector<1x64x2048xf32>
    tpu.vector_store %arg6[%swap3A_1108, %swap3A_1109, %swap3A_1110], %swap3A_1113 {strides = array<i32>} : memref<1x64x2048xf32, #tpu.memory_space<vmem>>, vector<1x64x2048xf32>,
    return
  }
  func.func @transform_0(%arg0: i32) -> (i32, i32, i32) {
    %c0_i32 = arith.constant 0 : i32
    %c0_i32_0 = arith.constant 0 : i32
    %c0_i32_1 = arith.constant 0 : i32
    return %arg0, %c0_i32, %c0_i32_0 : i32, i32, i32
  }
  func.func @transform_1(%arg0: i32) -> (i32, i32, i32) {
    %c0_i32 = arith.constant 0 : i32
    %c0_i32_0 = arith.constant 0 : i32
    %c0_i32_1 = arith.constant 0 : i32
    return %arg0, %c0_i32, %c0_i32_0 : i32, i32, i32
  }
  func.func @transform_2(%arg0: i32) -> (i32, i32) {
    %c0_i32 = arith.constant 0 : i32
    %c0_i32_0 = arith.constant 0 : i32
    %c0_i32_1 = arith.constant 0 : i32
    return %c0_i32, %c0_i32_0 : i32, i32
  }
  func.func @transform_3(%arg0: i32) -> (i32, i32, i32) {
    %c0_i32 = arith.constant 0 : i32
    %c0_i32_0 = arith.constant 0 : i32
    %c0_i32_1 = arith.constant 0 : i32
    return %arg0, %c0_i32, %c0_i32_0 : i32, i32, i32
  }
  func.func @transform_4(%arg0: i32) -> (i32, i32, i32) {
    %c0_i32 = arith.constant 0 : i32
    %c0_i32_0 = arith.constant 0 : i32
    %c0_i32_1 = arith.constant 0 : i32
    return %arg0, %c0_i32, %c0_i32_0 : i32, i32, i32
  }
  func.func @transform_5(%arg0: i32) -> (i32, i32, i32) {
    %c0_i32 = arith.constant 0 : i32
    %c0_i32_0 = arith.constant 0 : i32
    %c0_i32_1 = arith.constant 0 : i32
    return %arg0, %c0_i32, %c0_i32_0 : i32, i32, i32
  }
}

</mosaic_0001>

<sc_bundles>
// kernel: sparse-core-data-format-call.1.cloned.1.call-start
scs
called_computation.1_lowered:
.L_overlay_start_0:
0x0: {  	s2 =	sld [smem:$0x3FD9]  }
0x1: {  	s3 =	sld [smem:$0x3FFE];
	_ =	sdelay $0x1  }
0x2: {  	s1 =	srdreg.scid  }
0x3: {  	s0 =	sand.u32 $0x1, s1  }
0x4: {  	s18 =	sshll.u32 s0, $0xA;
	s2 =	sadd.s32 s3, s2  }
0x5: {  	s2 =	sadd.s32 s2, s18  }
0x6: {  	[smem:$0x3FC1] =	sst s2  }
0x7: {  	_ = 	snop  }
0x8: {  	s2 =	sld [smem:$0x3FC9];
	(tm) =	ssettm $0x1  }
0x9: {  	s19 =	sld [smem:$0x3FFB];
	_ =	sdelay $0x3  }
0xa: {  	_ =	strace s19  }
0xb: {  	s3 =	sld [smem:$0x3FFC];
	_ =	sdelay $0x3  }
0xc: {  	_ =	strace s3  }
0xd: {  	s3 =	sld [smem:$0x3FFD];
	_ =	sdelay $0x3  }
0xe: {  	_ =	strace s3  }
0xf: {  	_ =	strace $0x8FFFFFFF  }
0x10: {  	s20 =	sld [smem:$0x3FDB];
	_ =	sdelay $0x1  }
0x11: {  	s4 =	simm.s32 $_scs_section_size  }
0x12: {  	s5 =	simm.s32 $_size__tile_overlayer_lowered;
	s6 =	simm.s32 $_tile_overlayer_lowered  }
0x13: {  	s23 =	simm.s32 $0x1BFF;
	s22 =	sshll.u32 s6, $0x1;
	s3 =	sadd.s32 s4, s20  }
0x14: {  	s7 =	simm.s32 $0x0;
	s21 =	sshll.u32 s5, $0x1;
	s5 =	sadd.s32 s22, s3  }
0x15: {  	[timem:s7], [sflag:s23] =	dma.local [hbm:s5], s21  }
0x16: {  	_ =	swait.ge [sflag:s23], s21  }
0x17: {  	s4 =	ssub.s32 $0x0, s21;
	[sflag:s23] =	ssyncset.done $0x0  }
0x18: {  	[sflag:s23] =	ssyncadd.s32 s4;
	_ =	sdelay $0x1  }
0x19: {  	s24 =	simm.s32 $0x1B8B  }
0x1a: {  	_ =	swait.ge [sflag:s24], $0x1  }
0x1b: {  	[sflag:s24] =	ssyncset.done $0x0  }
0x1c: {  	s26 =	simm.s32 $0x1B8E;
	s25 =	sld [smem:$0x3FFE];
	[sflag:s24] =	ssyncadd.s32 $0xFFFFFFFF  }
0x1d: {  	s27 =	simm.s32 $execute0_lowered;
	[smem:$0x3FD2] =	sst s26  }
0x1e: {  	s5 =	sshll.u32 s27, $0x1;
	_ =	strace $0x80000046;
	[dreg:$0x1] =	wrdreg $0xFFFFFFFF  }
0x1f: {  	s28 =	simm.s32 $_size_execute0_lowered;
	s3 =	sadd.s32 s3, s5;
	[dreg:$0x0] =	wrdreg $0x0  }
0x20: {  	s5 =	sshll.u32 s28, $0x1;
	[dreg:$0x2] =	wrdreg s3  }
0x21: {  	[dreg:$0x3] =	wrdreg s5  }
0x22: {  	[dreg:$0x4] =	wrdreg $0xC0  }
0x23: {  	_ =	task [dreg:s7], $0x5FFFF  }
0x24: {  	[dreg:$0x1] =	wrdreg $0xFFFFFFFF  }
0x25: {  	[dreg:$0x0] =	wrdreg $0x60  }
0x26: {  	[dreg:$0x2] =	wrdreg s2  }
0x27: {  	[dreg:$0x3] =	wrdreg s25  }
0x28: {  	[dreg:$0x4] =	wrdreg $0x9  }
0x29: {  	_ =	task.clear_ibuf [dreg:s7], $0x5FFFF;
	_ =	strace $0x90000046  }
0x2a: {  	s29 =	simm.s32 $0x9;
	_ =	strace $0x80000048  }
0x2b: {  	_ =	swait.ge [sflag:s29], $0x1  }
0x2c: {  	[sflag:s29] =	ssyncadd.s32 $0xFFFFFFFF  }
0x2d: {  	_ =	strace $0x90000048  }
0x2e: {  	_ =	sfence  }
0x2f: {  	s30 =	sld [smem:$0x0];
	_ =	sdelay $0x2  }
0x30: {  	s31 =	sshll.u32 s1, $0xD;
	s1 =	sshrl.u32 s1, $0x2  }
0x31: {  	s3 =	sand.u32 $0x4000, s31;
	s1 =	sadd.s32 s1, s30  }
0x32: {  	s0 =	sor.u32 s3, s0;
	s1 =	sshll.u32 s1, $0x11  }
0x33: {  	s0 =	sor.u32 s1, s0  }
0x34: {  	s0 =	sadd.s32 $0x8F2B, s0  }
0x35: {  	[sflag:s0] =	ssyncadd.remote.s32 $0x1  }
0x36: {  	_ =	sfence.sel $0xFFFF  }
0x37: {  	[dreg:$0x0] =	wrdreg $0xFFFFFFFF;
	(pc) =	sbr.abs _section_cstart, $3  }
0x38: {  	[dreg:$0x1] =	wrdreg $0xFFFFFFFF  }
0x39: {  	_ =	task.clear_ibuf [dreg:s7], $0x2FFFF;
	_ =	strace $0x9FFFFFFF  }
0x3a: {  	(tm) =	ssettm $0x7FFFFFFF  }
0x3b: {  	_ =	shalt  }
tec
execute0_lowered:
.L_overlay_start_1:
0x0: {  	(tag) =	ssettag $0x1  }
0x1: {  	s1 =	rddreg [dreg:$0x0]  }
0x2: {  	s0 =	srdreg.scid;
	s3 =	rddreg [dreg:$0x1]  }
0x3: {  	s5 =	simm.s32 $0x1;
	s7 =	simm.s32 $0x2;
	s8 =	simm.s32 $0x0  }
0x4: {  	s9 =	simm.s32 $0x0;
	s13 =	simm.s32 $0x0;
	s0 =	sshll.u32 s0, $0x3  }
0x5: {  	s14 =	simm.s32 $0x0;
	s11 =	stileid.u32;
	s2 =	sand.u32 $0x8, s0  }
.Ltmp0:
0x6: {  	s12 =	simm.s32 $0x0;
	s6 =	ssub.s32 $0x100, s2;
	(pc) =	sbr.rel .LBB1_1-.Ltmp0, $4  }
0x7: {  	s4 =	sadd.s32 $0x1800, s3;
	s0 =	rddreg [dreg:$0x2];
	s31 =	sshrl.u32 s6, $0x3  }
0x8: {  	_ =	strace $0x80000047;
	s6 =	sshrl.u32 s6, $0x4;
	s3 =	sand.u32 $0x1, s31  }
0x9: {  	[sflag:s5] =	ssyncpa.u1 $0x0;
	s10 =	smov.u32 s2;
	s6 =	sadd.s32 s6, s3  }
0xa: {  	[sflag:s7] =	ssyncpa.u1 $0x0;
	s3 =	stileid.u32;
	s7 =	sadd.s32 $0x1, s6  }
.LBB1_7:
0xb: {  	s15 =	sadd.s32 $0x10, s10  }
0xc: {  	s13 =	sadd.s32 $0x10, s11;
	s17 =	smov.u32 s11;
	p1 =	sgt.s32 s15, $0xFF  }
0xd: {  	s17 =	smov.u32 @p1 s13  }
0xe: {  	s15 =	smov.u32 @p1 s2;
	p1 =	sgt.s32 s17, $0xF  }
0xf: {  	s17 =	smov.u32 @p1 s3;
	p1 =	sne.s32 s12, s7  }
.Ltmp1:
0x10: {  	p0 =	slt.u32 s12, $0x2;
	(pc) =	sbr.rel @!p1 .LBB1_8-.Ltmp1, $4  }
0x11: {  	s16 =	simm.s32 @!p0 $0x2  }
0x12: {  	s14 =	smov.u32 s11;
	s9 =	sadd.s32 $0x4000, s9;
	_ =	swait.ge @!p0 [sflag:s16], $0x4000  }
0x13: {  	s13 =	smov.u32 s10;
	[sflag:s16] =	ssyncset.done @!p0 $0x0;
	s10 =	smov.u32 s15  }
0x14: {  	s12 =	sadd.s32 $0x1, s12;
	[sflag:s16] =	ssyncadd.s32 @!p0 $0xFFFFC000;
	s11 =	smov.u32 s17  }
.LBB1_1:
0x15: {  	p0 =	sge.u32 s12, s6  }
0x16: {  	s31 =	sadd.s32 $0xFFFFFFFF, s12;
	s15 =	sxor.u32 @!p0 $0xFFFFFFFF, s12;
	s16 =	sshll.u32 @!p0 s11, $0x10  }
0x17: {  	s17 =	sshll.u32 @!p0 s10, $0x8;
	s15 =	sshll.u32 @!p0 s15, $0xE;
	s16 =	sadd.s32 @!p0 s1, s16  }
0x18: {  	s15 =	sand.u32 @!p0 $0x4000, s15;
	s16 =	sadd.s32 @!p0 s17, s16;
	s17 =	simm.s32 @!p0 $0x0  }
0x19: {  	[tilespmem:s15], [sflag:$0x1] =	stream.linear.gather @!p0 [hbm4b:s16+s17], $0x4000, $0x38;
	[tilespmem:$0x10000] =	vst v63  }
0x1a: {  	p0 =	sge.u32 s31, s6  }
.Ltmp2:
0x1b: {  	_ = 	snop;
	(pc) =	sbr.rel @p0 .LBB1_7-.Ltmp2, $1  }
0x1c: {  	_ =	sdelay $0x3  }
0x1d: {  	s15 =	sand.u32 $0x4000, s9  }
0x1e: {  	_ =	swait.ge [sflag:s5], $0x4000;
	s18 =	sshll.u32 s12, $0xE;
	s16 =	sor.u32 $0x100, s15  }
0x1f: {  	s17 =	sor.u32 $0x8800, s15;
	[sflag:s5] =	ssyncset.done $0x0;
	s31 =	sand.u32 $0x4000, s18  }
0x20: {  	s18 =	simm.s32 $0x0;
	[sflag:s5] =	ssyncadd.s32 $0xFFFFC000;
	s15 =	sor.u32 $0x8000, s31  }
.LBB1_3:
0x21: {  	v0 =	vld [tilespmem:s16+$0xF0]  }
0x22: {  	v1 =	vld [tilespmem:s16+$0xFFFFFF10]  }
0x23: {  	v2 =	vld [tilespmem:s16+$0xFFFFFF20]  }
0x24: {  	v3 =	vld [tilespmem:s16+$0xFFFFFF30]  }
0x25: {  	v4 =	vld [tilespmem:s16+$0xFFFFFF40]  }
0x26: {  	v5 =	vld [tilespmem:s16+$0xFFFFFF50];
	[tilespmem:s17+$0x470] =	vst v0  }
0x27: {  	[tilespmem:s17+$0xFFFFF810] =	vst v1;
	v0 =	vld [tilespmem:s16+$0xFFFFFF60]  }
0x28: {  	[tilespmem:s17+$0xFFFFF820] =	vst v2;
	v1 =	vld [tilespmem:s16+$0xFFFFFF70]  }
0x29: {  	[tilespmem:s17+$0xFFFFF830] =	vst v3;
	v2 =	vld [tilespmem:s16+$0xFFFFFF80]  }
0x2a: {  	[tilespmem:s17+$0xFFFFF840] =	vst v4;
	v3 =	vld [tilespmem:s16+$0xFFFFFF90]  }
0x2b: {  	[tilespmem:s17+$0xFFFFF850] =	vst v5;
	v4 =	vld [tilespmem:s16+$0xFFFFFFA0]  }
0x2c: {  	v5 =	vld [tilespmem:s16+$0xA0];
	[tilespmem:s17+$0xFFFFF860] =	vst v0  }
0x2d: {  	v0 =	vld [tilespmem:s16+$0xFFFFFFB0];
	[tilespmem:s17+$0xFFFFF870] =	vst v1  }
0x2e: {  	v1 =	vld [tilespmem:s16+$0xFFFFFFC0];
	[tilespmem:s17+$0xFFFFFC00] =	vst v2  }
0x2f: {  	[tilespmem:s17+$0xFFFFFC10] =	vst v3;
	v3 =	vld [tilespmem:s16+$0xFFFFFFE0]  }
0x30: {  	[tilespmem:s17+$0xFFFFFC20] =	vst v4;
	v4 =	vld [tilespmem:s16+$0xFFFFFFF0]  }
0x31: {  	v2 =	vld [tilespmem:s16+$0xFFFFFFD0];
	[tilespmem:s17+$0x420] =	vst v5  }
0x32: {  	[tilespmem:s17+$0xFFFFFC30] =	vst v0;
	v0 =	vld [tilespmem:s16+$0x0]  }
0x33: {  	[tilespmem:s17+$0xFFFFFC40] =	vst v1;
	v1 =	vld [tilespmem:s16+$0x10]  }
0x34: {  	[tilespmem:s17+$0xFFFFFC60] =	vst v3;
	v3 =	vld [tilespmem:s16+$0x30]  }
0x35: {  	[tilespmem:s17+$0xFFFFFC70] =	vst v4;
	v4 =	vld [tilespmem:s16+$0x40]  }
0x36: {  	[tilespmem:s17+$0xFFFFFC50] =	vst v2;
	v2 =	vld [tilespmem:s16+$0x20]  }
0x37: {  	[tilespmem:s17+$0x0] =	vst v0;
	v0 =	vld [tilespmem:s16+$0x50]  }
0x38: {  	[tilespmem:s17+$0x10] =	vst v1;
	v1 =	vld [tilespmem:s16+$0x60]  }
0x39: {  	[tilespmem:s17+$0x30] =	vst v3;
	v3 =	vld [tilespmem:s16+$0x80]  }
0x3a: {  	[tilespmem:s17+$0x40] =	vst v4;
	v4 =	vld [tilespmem:s16+$0x90]  }
0x3b: {  	[tilespmem:s17+$0x20] =	vst v2;
	v2 =	vld [tilespmem:s16+$0x70]  }
0x3c: {  	[tilespmem:s17+$0x50] =	vst v0;
	v0 =	vld [tilespmem:s16+$0xB0]  }
0x3d: {  	[tilespmem:s17+$0x60] =	vst v1;
	v1 =	vld [tilespmem:s16+$0xC0]  }
0x3e: {  	[tilespmem:s17+$0x400] =	vst v3;
	v3 =	vld [tilespmem:s16+$0xD0]  }
0x3f: {  	[tilespmem:s17+$0x410] =	vst v4;
	v4 =	vld [tilespmem:s16+$0xE0]  }
0x40: {  	s20 =	simm.s32 $0x0;
	s21 =	sadd.s32 $0x200, s16;
	s19 =	smov.u32 s17;
	[tilespmem:s17+$0x70] =	vst v2;
	v2 =	vld [tilespmem:s16+$0xFFFFFF00]  }
.LBB1_4:
0x41: {  	v5 =	vld [tilespmem:s21+$0xF0];
	s20 =	sadd.s32 $0x200, s20;
	[tilespmem:s19+$0x430] =	vst v0  }
0x42: {  	v0 =	vld [tilespmem:s21+$0xFFFFFF10];
	p0 =	slt.u32 s20, $0x600;
	[tilespmem:s19+$0x440] =	vst v1  }
0x43: {  	v1 =	vld [tilespmem:s21+$0xFFFFFF20];
	[tilespmem:s19+$0x450] =	vst v3  }
0x44: {  	v3 =	vld [tilespmem:s21+$0xFFFFFF30];
	[tilespmem:s19+$0x460] =	vst v4  }
0x45: {  	v4 =	vld [tilespmem:s21+$0xFFFFFF40];
	[tilespmem:s19+$0xFFFFF800] =	vst v2;
	s19 =	sadd.s32 $0x1000, s19  }
0x46: {  	v2 =	vld [tilespmem:s21+$0xFFFFFF50];
	[tilespmem:s19+$0x470] =	vst v5  }
0x47: {  	[tilespmem:s19+$0xFFFFF810] =	vst v0;
	v0 =	vld [tilespmem:s21+$0xFFFFFF60]  }
0x48: {  	[tilespmem:s19+$0xFFFFF820] =	vst v1;
	v1 =	vld [tilespmem:s21+$0xFFFFFF70]  }
0x49: {  	[tilespmem:s19+$0xFFFFF830] =	vst v3;
	v3 =	vld [tilespmem:s21+$0xFFFFFF80]  }
0x4a: {  	[tilespmem:s19+$0xFFFFF840] =	vst v4;
	v4 =	vld [tilespmem:s21+$0xFFFFFF90]  }
0x4b: {  	[tilespmem:s19+$0xFFFFF850] =	vst v2;
	v2 =	vld [tilespmem:s21+$0xFFFFFFA0]  }
0x4c: {  	[tilespmem:s19+$0xFFFFF860] =	vst v0;
	v0 =	vld [tilespmem:s21+$0xFFFFFFB0]  }
0x4d: {  	[tilespmem:s19+$0xFFFFF870] =	vst v1;
	v1 =	vld [tilespmem:s21+$0xFFFFFFC0]  }
0x4e: {  	[tilespmem:s19+$0xFFFFFC00] =	vst v3;
	v3 =	vld [tilespmem:s21+$0xFFFFFFD0]  }
0x4f: {  	[tilespmem:s19+$0xFFFFFC10] =	vst v4;
	v4 =	vld [tilespmem:s21+$0xFFFFFFE0]  }
0x50: {  	[tilespmem:s19+$0xFFFFFC20] =	vst v2;
	v2 =	vld [tilespmem:s21+$0xFFFFFFF0]  }
0x51: {  	[tilespmem:s19+$0xFFFFFC30] =	vst v0;
	v0 =	vld [tilespmem:s21+$0x0]  }
0x52: {  	[tilespmem:s19+$0xFFFFFC40] =	vst v1;
	v1 =	vld [tilespmem:s21+$0x10]  }
0x53: {  	[tilespmem:s19+$0xFFFFFC50] =	vst v3;
	v3 =	vld [tilespmem:s21+$0x20]  }
0x54: {  	[tilespmem:s19+$0xFFFFFC60] =	vst v4;
	v4 =	vld [tilespmem:s21+$0x30]  }
0x55: {  	[tilespmem:s19+$0xFFFFFC70] =	vst v2;
	v2 =	vld [tilespmem:s21+$0x40]  }
0x56: {  	[tilespmem:s19+$0x0] =	vst v0;
	v0 =	vld [tilespmem:s21+$0x50]  }
0x57: {  	[tilespmem:s19+$0x10] =	vst v1;
	v1 =	vld [tilespmem:s21+$0x60]  }
0x58: {  	[tilespmem:s19+$0x20] =	vst v3;
	v3 =	vld [tilespmem:s21+$0x70]  }
0x59: {  	[tilespmem:s19+$0x30] =	vst v4;
	v4 =	vld [tilespmem:s21+$0x80]  }
0x5a: {  	[tilespmem:s19+$0x40] =	vst v2;
	v2 =	vld [tilespmem:s21+$0x90]  }
0x5b: {  	[tilespmem:s19+$0x50] =	vst v0;
	v5 =	vld [tilespmem:s21+$0xA0]  }
.Ltmp3:
0x5c: {  	[tilespmem:s19+$0x60] =	vst v1;
	v0 =	vld [tilespmem:s21+$0xB0];
	(pc) =	sbr.rel @p0 .LBB1_4-.Ltmp3, $4  }
0x5d: {  	[tilespmem:s19+$0x70] =	vst v3;
	v1 =	vld [tilespmem:s21+$0xC0]  }
0x5e: {  	[tilespmem:s19+$0x400] =	vst v4;
	v3 =	vld [tilespmem:s21+$0xD0]  }
0x5f: {  	[tilespmem:s19+$0x410] =	vst v2;
	v4 =	vld [tilespmem:s21+$0xE0]  }
0x60: {  	v2 =	vld [tilespmem:s21+$0xFFFFFF00];
	[tilespmem:s19+$0x420] =	vst v5;
	s21 =	sadd.s32 $0x200, s21  }
0x61: {  	s18 =	sadd.s32 $0x1, s18  }
0x62: {  	p0 =	sne.s32 s18, $0x8  }
.Ltmp4:
0x63: {  	[tilespmem:s19+$0x430] =	vst v0;
	(pc) =	sbr.rel @p0 .LBB1_3-.Ltmp4, $4  }
0x64: {  	[tilespmem:s19+$0x440] =	vst v1  }
0x65: {  	[tilespmem:s19+$0x450] =	vst v3  }
0x66: {  	[tilespmem:s19+$0x460] =	vst v4  }
0x67: {  	s16 =	sadd.s32 $0x800, s16;
	s17 =	sadd.s32 $0x80, s17;
	[tilespmem:s19+$0xFFFFF800] =	vst v2  }
.Ltmp5:
0x68: {  	s14 =	sshll.u32 s14, $0x10;
	s16 =	sshll.u32 s13, $0x8;
	(pc) =	sbr.rel .LBB1_7-.Ltmp5, $4  }
0x69: {  	s31 =	sshll.u32 s13, $0x4;
	s16 =	sand.u32 $0xF800, s16;
	s14 =	sadd.s32 s4, s14  }
0x6a: {  	s13 =	sand.u32 $0x70, s31;
	s14 =	sadd.s32 s16, s14  }
0x6b: {  	s13 =	sadd.s32 s13, s14  }
0x6c: {  	[hbm4b:s13+s8] =	stream.linear.scatter [tilespmem:s15], [sflag:$0x2], $0x4000, $0x38;
	[tilespmem:$0x10000] =	vst v63  }
.LBB1_8:
0x6d: {  	_ =	sfence.sel $0x180000  }
0x6e: {  	s1 =	simm.s32 $0x1;
	[bflag:$0x0] =	sbarrier.arrive $0xFFFF  }
0x6f: {  	s31 =	simm.s32 $0x2;
	[sflag:s1] =	ssyncpa.u1 $0x1  }
0x70: {  	[sflag:s31] =	ssyncpa.u1 $0x1  }
0x71: {  	p0 =	sne.s32 s3, $0x0;
	_ =	strace $0x90000047  }
0x72: {  	s0 =	sadd.s32 @!p0 $0x100000, s0;
	[bflag:$0x2] =	sbarrier.arrive $0xFFFF  }
0x73: {  	[sflag:s0] =	ssyncadd.tile.s32 @!p0 $0x1;
	_ =	shalt  }
.Lfunc_end1:
_tile_overlayer_lowered:
.L_overlay_start_2:
0x74: {  	(tag) =	ssettag $0x2  }
0x75: {  	s0 =	rddreg [dreg:$0x0];
	s2 =	stileid.u32  }
0x76: {  	s1 =	rddreg [dreg:$0x1];
	p0 =	sne.s32 s2, $0x0  }
0x77: {  	s3 =	rddreg [dreg:$0x2];
	[bflag:$0x3] =	sbarrier.arrive $0xFFFF;
	s2 =	simm.s32 @!p0 $0x1C01  }
0x78: {  	[timem:s3], [sflag:s2] =	dma.local @!p0 [hbm:s0], s1  }
0x79: {  	s0 =	simm.s32 @!p0 $0x1  }
0x7a: {  	_ =	swait.ge @!p0 [sflag:s0], s1  }
0x7b: {  	s1 =	ssub.s32 @!p0 $0x0, s1;
	[sflag:s0] =	ssyncset.done @!p0 $0x0  }
0x7c: {  	[sflag:s0] =	ssyncadd.s32 @!p0 s1  }
0x7d: {  	[bflag:$0x3] =	sbarrier.arrive $0xFFFF  }
0x7e: {  	_ =	shalt  }

// kernel: sparse-core-data-format-call.cloned.1.call-start
scs
called_computation_lowered:
.L_overlay_start_0:
0x0: {  	s2 =	sld [smem:$0x3FD9]  }
0x1: {  	s3 =	sld [smem:$0x3FFE];
	_ =	sdelay $0x1  }
0x2: {  	s1 =	srdreg.scid  }
0x3: {  	s0 =	sand.u32 $0x1, s1  }
0x4: {  	s15 =	sshll.u32 s0, $0xA;
	s2 =	sadd.s32 s3, s2  }
0x5: {  	s2 =	sadd.s32 s2, s15  }
0x6: {  	[smem:$0x3FC1] =	sst s2  }
0x7: {  	_ = 	snop  }
0x8: {  	s2 =	sld [smem:$0x3FD0];
	_ =	sdelay $0x2  }
0x9: {  	s16 =	simm.s32 $0xA;
	s4 =	simm.s32 $0x10  }
0xa: {  	[smem:s4], [sflag:s16] =	dma.local [hbm:s2], $0x1  }
0xb: {  	_ =	swait.eq [sflag:s16], $0x1  }
0xc: {  	[sflag:s16] =	ssyncset.done $0x0  }
0xd: {  	[sflag:s16] =	ssyncadd.s32 $0xFFFFFFFF  }
0xe: {  	s17 =	sld [smem:$0x10];
	(tm) =	ssettm $0x1  }
0xf: {  	s18 =	sld [smem:$0x3FFB];
	_ =	sdelay $0x3  }
0x10: {  	_ =	strace s18  }
0x11: {  	s3 =	sld [smem:$0x3FFC];
	_ =	sdelay $0x3  }
0x12: {  	_ =	strace s3  }
0x13: {  	s3 =	sld [smem:$0x3FFD];
	_ =	sdelay $0x3  }
0x14: {  	_ =	strace s3  }
0x15: {  	_ =	strace $0x8FFFFFFF  }
0x16: {  	s19 =	sld [smem:$0x3FDB];
	_ =	sdelay $0x1  }
0x17: {  	s20 =	simm.s32 $_scs_section_size  }
0x18: {  	s5 =	simm.s32 $_size__tile_overlayer_lowered;
	s6 =	simm.s32 $_tile_overlayer_lowered  }
0x19: {  	s23 =	simm.s32 $0x1BFF;
	s22 =	sshll.u32 s6, $0x1;
	s3 =	sadd.s32 s20, s19  }
0x1a: {  	s7 =	simm.s32 $0x0;
	s21 =	sshll.u32 s5, $0x1;
	s5 =	sadd.s32 s22, s3  }
0x1b: {  	[timem:s7], [sflag:s23] =	dma.local [hbm:s5], s21  }
0x1c: {  	_ =	swait.ge [sflag:s23], s21  }
0x1d: {  	s4 =	ssub.s32 $0x0, s21;
	[sflag:s23] =	ssyncset.done $0x0  }
0x1e: {  	[sflag:s23] =	ssyncadd.s32 s4;
	_ =	sdelay $0x1  }
0x1f: {  	s24 =	simm.s32 $0x1B8B  }
0x20: {  	_ =	swait.ge [sflag:s24], $0x1  }
0x21: {  	[sflag:s24] =	ssyncset.done $0x0  }
0x22: {  	s26 =	simm.s32 $0x1B8E;
	s25 =	sld [smem:$0x3FFE];
	[sflag:s24] =	ssyncadd.s32 $0xFFFFFFFF  }
0x23: {  	s27 =	simm.s32 $execute0_lowered;
	[smem:$0x3FD2] =	sst s26  }
0x24: {  	s5 =	sshll.u32 s27, $0x1;
	_ =	strace $0x80000049;
	[dreg:$0x1] =	wrdreg $0xFFFFFFFF  }
0x25: {  	s28 =	simm.s32 $_size_execute0_lowered;
	s3 =	sadd.s32 s3, s5;
	[dreg:$0x0] =	wrdreg $0x0  }
0x26: {  	s5 =	sshll.u32 s28, $0x1;
	[dreg:$0x2] =	wrdreg s3  }
0x27: {  	[dreg:$0x3] =	wrdreg s5  }
0x28: {  	[dreg:$0x4] =	wrdreg $0xC0  }
0x29: {  	_ =	task [dreg:s7], $0x5FFFF  }
0x2a: {  	[dreg:$0x1] =	wrdreg $0xFFFFFFFF  }
0x2b: {  	[dreg:$0x0] =	wrdreg $0x60  }
0x2c: {  	[dreg:$0x2] =	wrdreg s25  }
0x2d: {  	[dreg:$0x3] =	wrdreg s17  }
0x2e: {  	[dreg:$0x4] =	wrdreg $0x9  }
0x2f: {  	_ =	task.clear_ibuf [dreg:s7], $0x5FFFF;
	_ =	strace $0x90000049  }
0x30: {  	s29 =	simm.s32 $0x9;
	_ =	strace $0x8000004B  }
0x31: {  	_ =	swait.ge [sflag:s29], $0x1  }
0x32: {  	[sflag:s29] =	ssyncadd.s32 $0xFFFFFFFF  }
0x33: {  	_ =	strace $0x9000004B  }
0x34: {  	_ =	sfence  }
0x35: {  	s30 =	sld [smem:$0x0];
	_ =	sdelay $0x2  }
0x36: {  	s31 =	sshll.u32 s1, $0xD;
	s1 =	sshrl.u32 s1, $0x2  }
0x37: {  	s3 =	sand.u32 $0x4000, s31;
	s1 =	sadd.s32 s1, s30  }
0x38: {  	s0 =	sor.u32 s3, s0;
	s1 =	sshll.u32 s1, $0x11  }
0x39: {  	s0 =	sor.u32 s1, s0  }
0x3a: {  	s0 =	sadd.s32 $0x8F2B, s0  }
0x3b: {  	[sflag:s0] =	ssyncadd.remote.s32 $0x1  }
0x3c: {  	_ =	sfence.sel $0xFFFF  }
0x3d: {  	[dreg:$0x0] =	wrdreg $0xFFFFFFFF;
	(pc) =	sbr.abs _section_cstart, $3  }
0x3e: {  	[dreg:$0x1] =	wrdreg $0xFFFFFFFF  }
0x3f: {  	_ =	task.clear_ibuf [dreg:s7], $0x2FFFF;
	_ =	strace $0x9FFFFFFF  }
0x40: {  	(tm) =	ssettm $0x7FFFFFFF  }
0x41: {  	_ =	shalt  }
tec
execute0_lowered:
.L_overlay_start_1:
0x0: {  	(tag) =	ssettag $0x1  }
0x1: {  	s3 =	rddreg [dreg:$0x0]  }
0x2: {  	s0 =	srdreg.scid;
	s1 =	rddreg [dreg:$0x1]  }
0x3: {  	s5 =	simm.s32 $0x1;
	s7 =	simm.s32 $0x2;
	s8 =	simm.s32 $0x0  }
0x4: {  	s9 =	simm.s32 $0x0;
	s13 =	simm.s32 $0x0;
	s0 =	sshll.u32 s0, $0x3  }
0x5: {  	s14 =	simm.s32 $0x0;
	s11 =	stileid.u32;
	s2 =	sand.u32 $0x8, s0  }
.Ltmp0:
0x6: {  	s12 =	simm.s32 $0x0;
	s6 =	ssub.s32 $0x200, s2;
	(pc) =	sbr.rel .LBB1_1-.Ltmp0, $4  }
0x7: {  	s4 =	sadd.s32 $0x101800, s3;
	s0 =	rddreg [dreg:$0x2];
	s31 =	sshrl.u32 s6, $0x3  }
0x8: {  	_ =	strace $0x8000004A;
	s6 =	sshrl.u32 s6, $0x4;
	s3 =	sand.u32 $0x1, s31  }
0x9: {  	[sflag:s5] =	ssyncpa.u1 $0x0;
	s10 =	smov.u32 s2;
	s6 =	sadd.s32 s6, s3  }
0xa: {  	[sflag:s7] =	ssyncpa.u1 $0x0;
	s3 =	stileid.u32;
	s7 =	sadd.s32 $0x1, s6  }
.LBB1_7:
0xb: {  	s15 =	sadd.s32 $0x10, s10  }
0xc: {  	s13 =	sadd.s32 $0x10, s11;
	s17 =	smov.u32 s11;
	p1 =	sgt.s32 s15, $0x1FF  }
0xd: {  	s17 =	smov.u32 @p1 s13  }
0xe: {  	s15 =	smov.u32 @p1 s2;
	p1 =	sgt.s32 s17, $0xF  }
0xf: {  	s17 =	smov.u32 @p1 s3;
	p1 =	sne.s32 s12, s7  }
.Ltmp1:
0x10: {  	p0 =	slt.u32 s12, $0x2;
	(pc) =	sbr.rel @!p1 .LBB1_8-.Ltmp1, $4  }
0x11: {  	s16 =	simm.s32 @!p0 $0x2  }
0x12: {  	s14 =	smov.u32 s11;
	s9 =	sadd.s32 $0x4000, s9;
	_ =	swait.ge @!p0 [sflag:s16], $0x4000  }
0x13: {  	s13 =	smov.u32 s10;
	[sflag:s16] =	ssyncset.done @!p0 $0x0;
	s10 =	smov.u32 s15  }
0x14: {  	s12 =	sadd.s32 $0x1, s12;
	[sflag:s16] =	ssyncadd.s32 @!p0 $0xFFFFC000;
	s11 =	smov.u32 s17  }
.LBB1_1:
0x15: {  	p0 =	sge.u32 s12, s6;
	s31 =	sadd.s32 $0xFFFFFFFF, s12  }
0x16: {  	s15 =	sxor.u32 @!p0 $0xFFFFFFFF, s12;
	s16 =	sshll.u32 @!p0 s11, $0x11;
	s17 =	sshll.u32 @!p0 s10, $0x8  }
0x17: {  	s18 =	sshll.u32 @!p0 s10, $0x4;
	s17 =	sand.u32 @!p0 $0x1F800, s17;
	s16 =	sadd.s32 @!p0 s4, s16  }
0x18: {  	s15 =	sshll.u32 @!p0 s15, $0xE;
	s18 =	sand.u32 @!p0 $0x70, s18;
	s16 =	sadd.s32 @!p0 s17, s16  }
0x19: {  	s15 =	sand.u32 @!p0 $0x4000, s15;
	s17 =	simm.s32 @!p0 $0x0;
	s16 =	sadd.s32 @!p0 s18, s16  }
0x1a: {  	[tilespmem:s15], [sflag:$0x1] =	stream.linear.gather @!p0 [hbm4b:s16+s17], $0x4000, $0x38;
	[tilespmem:$0x10000] =	vst v63  }
0x1b: {  	p0 =	sge.u32 s31, s6  }
.Ltmp2:
0x1c: {  	_ = 	snop;
	(pc) =	sbr.rel @p0 .LBB1_7-.Ltmp2, $1  }
0x1d: {  	_ =	sdelay $0x3  }
0x1e: {  	s16 =	sand.u32 $0x4000, s9  }
0x1f: {  	_ =	swait.ge [sflag:s5], $0x4000;
	s18 =	sshll.u32 s12, $0xE;
	s15 =	sor.u32 $0x8100, s16  }
0x20: {  	s17 =	sor.u32 $0x800, s16;
	[sflag:s5] =	ssyncset.done $0x0;
	s31 =	sand.u32 $0x4000, s18  }
0x21: {  	s18 =	simm.s32 $0x0;
	[sflag:s5] =	ssyncadd.s32 $0xFFFFC000;
	s16 =	sor.u32 $0x8000, s31  }
.LBB1_3:
0x22: {  	v0 =	vld [tilespmem:s17+$0x470]  }
0x23: {  	v1 =	vld [tilespmem:s17+$0xFFFFF810]  }
0x24: {  	v2 =	vld [tilespmem:s17+$0xFFFFF820]  }
0x25: {  	v3 =	vld [tilespmem:s17+$0xFFFFF830]  }
0x26: {  	v4 =	vld [tilespmem:s17+$0xFFFFF840]  }
0x27: {  	v5 =	vld [tilespmem:s17+$0xFFFFF850];
	[tilespmem:s15+$0xF0] =	vst v0  }
0x28: {  	[tilespmem:s15+$0xFFFFFF10] =	vst v1;
	v0 =	vld [tilespmem:s17+$0xFFFFF860]  }
0x29: {  	[tilespmem:s15+$0xFFFFFF20] =	vst v2;
	v1 =	vld [tilespmem:s17+$0xFFFFF870]  }
0x2a: {  	[tilespmem:s15+$0xFFFFFF30] =	vst v3;
	v2 =	vld [tilespmem:s17+$0xFFFFFC00]  }
0x2b: {  	[tilespmem:s15+$0xFFFFFF40] =	vst v4;
	v3 =	vld [tilespmem:s17+$0xFFFFFC10]  }
0x2c: {  	[tilespmem:s15+$0xFFFFFF50] =	vst v5;
	v4 =	vld [tilespmem:s17+$0xFFFFFC20]  }
0x2d: {  	v5 =	vld [tilespmem:s17+$0x420];
	[tilespmem:s15+$0xFFFFFF60] =	vst v0  }
0x2e: {  	v0 =	vld [tilespmem:s17+$0xFFFFFC30];
	[tilespmem:s15+$0xFFFFFF70] =	vst v1  }
0x2f: {  	v1 =	vld [tilespmem:s17+$0xFFFFFC40];
	[tilespmem:s15+$0xFFFFFF80] =	vst v2  }
0x30: {  	[tilespmem:s15+$0xFFFFFF90] =	vst v3;
	v3 =	vld [tilespmem:s17+$0xFFFFFC60]  }
0x31: {  	[tilespmem:s15+$0xFFFFFFA0] =	vst v4;
	v4 =	vld [tilespmem:s17+$0xFFFFFC70]  }
0x32: {  	v2 =	vld [tilespmem:s17+$0xFFFFFC50];
	[tilespmem:s15+$0xA0] =	vst v5  }
0x33: {  	[tilespmem:s15+$0xFFFFFFB0] =	vst v0;
	v0 =	vld [tilespmem:s17+$0x0]  }
0x34: {  	[tilespmem:s15+$0xFFFFFFC0] =	vst v1;
	v1 =	vld [tilespmem:s17+$0x10]  }
0x35: {  	[tilespmem:s15+$0xFFFFFFE0] =	vst v3;
	v3 =	vld [tilespmem:s17+$0x30]  }
0x36: {  	[tilespmem:s15+$0xFFFFFFF0] =	vst v4;
	v4 =	vld [tilespmem:s17+$0x40]  }
0x37: {  	[tilespmem:s15+$0xFFFFFFD0] =	vst v2;
	v2 =	vld [tilespmem:s17+$0x20]  }
0x38: {  	[tilespmem:s15+$0x0] =	vst v0;
	v0 =	vld [tilespmem:s17+$0x50]  }
0x39: {  	[tilespmem:s15+$0x10] =	vst v1;
	v1 =	vld [tilespmem:s17+$0x60]  }
0x3a: {  	[tilespmem:s15+$0x30] =	vst v3;
	v3 =	vld [tilespmem:s17+$0x400]  }
0x3b: {  	[tilespmem:s15+$0x40] =	vst v4;
	v4 =	vld [tilespmem:s17+$0x410]  }
0x3c: {  	[tilespmem:s15+$0x20] =	vst v2;
	v2 =	vld [tilespmem:s17+$0x70]  }
0x3d: {  	[tilespmem:s15+$0x50] =	vst v0;
	v0 =	vld [tilespmem:s17+$0x430]  }
0x3e: {  	[tilespmem:s15+$0x60] =	vst v1;
	v1 =	vld [tilespmem:s17+$0x440]  }
0x3f: {  	[tilespmem:s15+$0x80] =	vst v3;
	v3 =	vld [tilespmem:s17+$0x450]  }
0x40: {  	[tilespmem:s15+$0x90] =	vst v4;
	v4 =	vld [tilespmem:s17+$0x460]  }
0x41: {  	s20 =	simm.s32 $0x0;
	s21 =	sadd.s32 $0x1000, s17;
	s19 =	smov.u32 s15;
	[tilespmem:s15+$0x70] =	vst v2;
	v2 =	vld [tilespmem:s17+$0xFFFFF800]  }
.LBB1_4:
0x42: {  	v5 =	vld [tilespmem:s21+$0x470];
	s20 =	sadd.s32 $0x200, s20;
	[tilespmem:s19+$0xB0] =	vst v0  }
0x43: {  	v0 =	vld [tilespmem:s21+$0xFFFFF810];
	p0 =	slt.u32 s20, $0x600;
	[tilespmem:s19+$0xC0] =	vst v1  }
0x44: {  	v1 =	vld [tilespmem:s21+$0xFFFFF820];
	[tilespmem:s19+$0xD0] =	vst v3  }
0x45: {  	v3 =	vld [tilespmem:s21+$0xFFFFF830];
	[tilespmem:s19+$0xE0] =	vst v4  }
0x46: {  	v4 =	vld [tilespmem:s21+$0xFFFFF840];
	[tilespmem:s19+$0xFFFFFF00] =	vst v2;
	s19 =	sadd.s32 $0x200, s19  }
0x47: {  	v2 =	vld [tilespmem:s21+$0xFFFFF850];
	[tilespmem:s19+$0xF0] =	vst v5  }
0x48: {  	[tilespmem:s19+$0xFFFFFF10] =	vst v0;
	v0 =	vld [tilespmem:s21+$0xFFFFF860]  }
0x49: {  	[tilespmem:s19+$0xFFFFFF20] =	vst v1;
	v1 =	vld [tilespmem:s21+$0xFFFFF870]  }
0x4a: {  	[tilespmem:s19+$0xFFFFFF30] =	vst v3;
	v3 =	vld [tilespmem:s21+$0xFFFFFC00]  }
0x4b: {  	[tilespmem:s19+$0xFFFFFF40] =	vst v4;
	v4 =	vld [tilespmem:s21+$0xFFFFFC10]  }
0x4c: {  	[tilespmem:s19+$0xFFFFFF50] =	vst v2;
	v2 =	vld [tilespmem:s21+$0xFFFFFC20]  }
0x4d: {  	[tilespmem:s19+$0xFFFFFF60] =	vst v0;
	v0 =	vld [tilespmem:s21+$0xFFFFFC30]  }
0x4e: {  	[tilespmem:s19+$0xFFFFFF70] =	vst v1;
	v1 =	vld [tilespmem:s21+$0xFFFFFC40]  }
0x4f: {  	[tilespmem:s19+$0xFFFFFF80] =	vst v3;
	v3 =	vld [tilespmem:s21+$0xFFFFFC50]  }
0x50: {  	[tilespmem:s19+$0xFFFFFF90] =	vst v4;
	v4 =	vld [tilespmem:s21+$0xFFFFFC60]  }
0x51: {  	[tilespmem:s19+$0xFFFFFFA0] =	vst v2;
	v2 =	vld [tilespmem:s21+$0xFFFFFC70]  }
0x52: {  	[tilespmem:s19+$0xFFFFFFB0] =	vst v0;
	v0 =	vld [tilespmem:s21+$0x0]  }
0x53: {  	[tilespmem:s19+$0xFFFFFFC0] =	vst v1;
	v1 =	vld [tilespmem:s21+$0x10]  }
0x54: {  	[tilespmem:s19+$0xFFFFFFD0] =	vst v3;
	v3 =	vld [tilespmem:s21+$0x20]  }
0x55: {  	[tilespmem:s19+$0xFFFFFFE0] =	vst v4;
	v4 =	vld [tilespmem:s21+$0x30]  }
0x56: {  	[tilespmem:s19+$0xFFFFFFF0] =	vst v2;
	v2 =	vld [tilespmem:s21+$0x40]  }
0x57: {  	[tilespmem:s19+$0x0] =	vst v0;
	v0 =	vld [tilespmem:s21+$0x50]  }
0x58: {  	[tilespmem:s19+$0x10] =	vst v1;
	v1 =	vld [tilespmem:s21+$0x60]  }
0x59: {  	[tilespmem:s19+$0x20] =	vst v3;
	v3 =	vld [tilespmem:s21+$0x70]  }
0x5a: {  	[tilespmem:s19+$0x30] =	vst v4;
	v4 =	vld [tilespmem:s21+$0x400]  }
0x5b: {  	[tilespmem:s19+$0x40] =	vst v2;
	v2 =	vld [tilespmem:s21+$0x410]  }
0x5c: {  	[tilespmem:s19+$0x50] =	vst v0;
	v5 =	vld [tilespmem:s21+$0x420]  }
.Ltmp3:
0x5d: {  	[tilespmem:s19+$0x60] =	vst v1;
	v0 =	vld [tilespmem:s21+$0x430];
	(pc) =	sbr.rel @p0 .LBB1_4-.Ltmp3, $4  }
0x5e: {  	[tilespmem:s19+$0x70] =	vst v3;
	v1 =	vld [tilespmem:s21+$0x440]  }
0x5f: {  	[tilespmem:s19+$0x80] =	vst v4;
	v3 =	vld [tilespmem:s21+$0x450]  }
0x60: {  	[tilespmem:s19+$0x90] =	vst v2;
	v4 =	vld [tilespmem:s21+$0x460]  }
0x61: {  	v2 =	vld [tilespmem:s21+$0xFFFFF800];
	[tilespmem:s19+$0xA0] =	vst v5;
	s21 =	sadd.s32 $0x1000, s21  }
0x62: {  	s18 =	sadd.s32 $0x1, s18  }
0x63: {  	p0 =	sne.s32 s18, $0x8  }
.Ltmp4:
0x64: {  	[tilespmem:s19+$0xB0] =	vst v0;
	(pc) =	sbr.rel @p0 .LBB1_3-.Ltmp4, $4  }
0x65: {  	[tilespmem:s19+$0xC0] =	vst v1  }
0x66: {  	[tilespmem:s19+$0xD0] =	vst v3  }
0x67: {  	[tilespmem:s19+$0xE0] =	vst v4  }
0x68: {  	s15 =	sadd.s32 $0x800, s15;
	s17 =	sadd.s32 $0x80, s17;
	[tilespmem:s19+$0xFFFFFF00] =	vst v2  }
.Ltmp5:
0x69: {  	(pc) =	sbr.rel .LBB1_7-.Ltmp5, $4  }
0x6a: {  	s14 =	sshll.u32 s14, $0x11  }
0x6b: {  	s13 =	sshll.u32 s13, $0x8;
	s14 =	sadd.s32 s1, s14  }
0x6c: {  	s13 =	sadd.s32 s13, s14  }
0x6d: {  	[hbm4b:s13+s8] =	stream.linear.scatter [tilespmem:s16], [sflag:$0x2], $0x4000, $0x38;
	[tilespmem:$0x10000] =	vst v63  }
.LBB1_8:
0x6e: {  	_ =	sfence.sel $0x180000  }
0x6f: {  	s1 =	simm.s32 $0x1;
	[bflag:$0x0] =	sbarrier.arrive $0xFFFF  }
0x70: {  	s31 =	simm.s32 $0x2;
	[sflag:s1] =	ssyncpa.u1 $0x1  }
0x71: {  	[sflag:s31] =	ssyncpa.u1 $0x1  }
0x72: {  	p0 =	sne.s32 s3, $0x0;
	_ =	strace $0x9000004A  }
0x73: {  	s0 =	sadd.s32 @!p0 $0x100000, s0;
	[bflag:$0x2] =	sbarrier.arrive $0xFFFF  }
0x74: {  	[sflag:s0] =	ssyncadd.tile.s32 @!p0 $0x1;
	_ =	shalt  }
.Lfunc_end1:
_tile_overlayer_lowered:
.L_overlay_start_2:
0x75: {  	(tag) =	ssettag $0x2  }
0x76: {  	s0 =	rddreg [dreg:$0x0];
	s2 =	stileid.u32  }
0x77: {  	s1 =	rddreg [dreg:$0x1];
	p0 =	sne.s32 s2, $0x0  }
0x78: {  	s3 =	rddreg [dreg:$0x2];
	[bflag:$0x3] =	sbarrier.arrive $0xFFFF;
	s2 =	simm.s32 @!p0 $0x1C01  }
0x79: {  	[timem:s3], [sflag:s2] =	dma.local @!p0 [hbm:s0], s1  }
0x7a: {  	s0 =	simm.s32 @!p0 $0x1  }
0x7b: {  	_ =	swait.ge @!p0 [sflag:s0], s1  }
0x7c: {  	s1 =	ssub.s32 @!p0 $0x0, s1;
	[sflag:s0] =	ssyncset.done @!p0 $0x0  }
0x7d: {  	[sflag:s0] =	ssyncadd.s32 @!p0 s1  }
0x7e: {  	[bflag:$0x3] =	sbarrier.arrive $0xFFFF  }
0x7f: {  	_ =	shalt  }

</sc_bundles>
